<compile_context>
chip_gen: v7x
topology: tpu7x:2x2x1
jax: 0.10.2.dev20260603
libtpu: 0.0.44.dev20260713+nightly
codegen_flags: <defaults>
</compile_context>

<pallas_src>
import functools

import jax
import jax.numpy as jnp
from jax import lax
from jax.experimental import pallas as pl
from jax.experimental.pallas import tpu as pltpu
from jax.experimental.pallas import tpu_sc as plsc

_N = 10000
_E = 320000
_D = 128
_H = 128
_G = 32
_NC = 2
_NS = 16
_NW = _NC * _NS
_EPT = _E // _NW
_C = 100
_NCH = _EPT // _C
_NP = 10240
_RPT = _NP // _NS


def _seg_sum_sc(x, src3, dst3, zeros):
  mesh = plsc.VectorSubcoreMesh(core_axis_name="c", subcore_axis_name="s")

  @functools.partial(
      pl.kernel,
      out_type=jax.ShapeDtypeStruct((_NC, _NP, _D), jnp.float32),
      mesh=mesh,
      scratch_types=[
          pltpu.VMEM((_NCH, _C), jnp.int32),
          pltpu.VMEM((_NCH, _C), jnp.int32),
          pltpu.VMEM((_C, _D), jnp.float32),
          pltpu.VMEM_SHARED((_NP, _D), jnp.float32),
          pltpu.SemaphoreType.DMA,
      ],
  )
  def seg_kernel(x_hbm, src_hbm, dst_hbm, z_hbm, out_hbm, src_v, dst_v,
                 rows_v, acc, sem):
    cid = lax.axis_index("c")
    sid = lax.axis_index("s")
    wid = cid * _NS + sid
    pltpu.sync_copy(z_hbm, acc.at[pl.ds(sid * _RPT, _RPT)])
    pltpu.sync_copy(src_hbm.at[wid], src_v)
    pltpu.sync_copy(dst_hbm.at[wid], dst_v)
    plsc.subcore_barrier()

    def body(j, carry):
      pltpu.async_copy(x_hbm.at[src_v.at[j]], rows_v, sem).wait()
      pltpu.sync_copy(rows_v, acc.at[dst_v.at[j]], add=True)
      return carry

    lax.fori_loop(0, _NCH, body, 0)

    plsc.subcore_barrier()
    pltpu.sync_copy(acc.at[pl.ds(sid * _RPT, _RPT)],
                    out_hbm.at[cid, pl.ds(sid * _RPT, _RPT)])

  return seg_kernel(x, src3, dst3, zeros)


def _pre_tc(nf, Wpre, bpre):
  def body(x_ref, w_ref, b_ref, o_ref):
    o_ref[...] = (
        jnp.dot(x_ref[...], w_ref[...], preferred_element_type=jnp.float32)
        + b_ref[...])

  return pl.pallas_call(
      body, out_shape=jax.ShapeDtypeStruct((_N, _H), jnp.float32),
  )(nf, Wpre, bpre)


def _dense_bn_tc(x, agg, W1, b1, W2, b2, gamma, beta):
  def body(x_ref, a_ref, w1_ref, b1_ref, w2_ref, b2_ref, g_ref, be_ref,
           o_ref):
    h = x_ref[...] + a_ref[0, :_N, :] + a_ref[1, :_N, :]
    h = jnp.maximum(
        jnp.dot(h, w1_ref[...], preferred_element_type=jnp.float32)
        + b1_ref[...], 0.0)
    h = (jnp.dot(h, w2_ref[...], preferred_element_type=jnp.float32)
         + b2_ref[...])
    mean = jnp.mean(h, axis=0, keepdims=True)
    var = jnp.mean(h * h, axis=0, keepdims=True) - mean * mean
    o_ref[...] = (g_ref[...] * (h - mean) * lax.rsqrt(var + 1e-5)
                  + be_ref[...])

  return pl.pallas_call(
      body, out_shape=jax.ShapeDtypeStruct((_N, _H), jnp.float32),
  )(x, agg, W1, b1, W2, b2, gamma, beta)


def _final_tc(x, agg, W1, b1, W2, b2, batch2d, Wp1, bp1, Wp2, bp2):
  def body(x_ref, a_ref, w1_ref, b1_ref, w2_ref, b2_ref, bt_ref, wp1_ref,
           bp1_ref, wp2_ref, bp2_ref, o_ref):
    h = x_ref[...] + a_ref[0, :_N, :] + a_ref[1, :_N, :]
    h = jnp.maximum(
        jnp.dot(h, w1_ref[...], preferred_element_type=jnp.float32)
        + b1_ref[...], 0.0)
    h = (jnp.dot(h, w2_ref[...], preferred_element_type=jnp.float32)
         + b2_ref[...])
    onehot = (bt_ref[...] == lax.broadcasted_iota(jnp.int32, (1, _G), 1)
              ).astype(jnp.float32)
    sums = lax.dot_general(onehot, h, (((0,), (0,)), ((), ())),
                           preferred_element_type=jnp.float32)
    counts = jnp.sum(onehot, axis=0).reshape(_G, 1)
    pooled = sums / jnp.maximum(counts, 1.0)
    hh = jnp.maximum(
        jnp.dot(pooled, wp1_ref[...], preferred_element_type=jnp.float32)
        + bp1_ref[...], 0.0)
    o_ref[...] = (
        jnp.dot(hh, wp2_ref[...], preferred_element_type=jnp.float32)
        + bp2_ref[...])

  return pl.pallas_call(
      body, out_shape=jax.ShapeDtypeStruct((_G, 1), jnp.float32),
  )(x, agg, W1, b1, W2, b2, batch2d, Wp1, bp1, Wp2, bp2)


def kernel(node_feature, edge_index, batch, Wpre, bpre, W1s, b1s, W2s, b2s,
           gammas, betas, Wp1, bp1, Wp2, bp2):
  src3 = edge_index[0].reshape(_NW, _NCH, _C)
  dst3 = edge_index[1].reshape(_NW, _NCH, _C)
  zeros = jnp.zeros((_RPT, _D), jnp.float32)
  batch2d = batch.reshape(_N, 1)

  x = _pre_tc(node_feature, Wpre, bpre.reshape(1, _H))
  for i in range(2):
    agg = _seg_sum_sc(x, src3, dst3, zeros)
    x = _dense_bn_tc(x, agg, W1s[i], b1s[i].reshape(1, _H), W2s[i],
                     b2s[i].reshape(1, _H), gammas[i].reshape(1, _H),
                     betas[i].reshape(1, _H))
  agg = _seg_sum_sc(x, src3, dst3, zeros)
  return _final_tc(x, agg, W1s[2], b1s[2].reshape(1, _H), W2s[2],
                   b2s[2].reshape(1, _H), batch2d, Wp1, bp1.reshape(1, _H),
                   Wp2, bp2.reshape(1, 1))

# --- scband reference (transcript-rebuilt; emitter-appended) ---
"""Pipeline reference for scband-gin-regress-66760971649441 (READ-ONLY COPY).

The authoritative reference and input builder live on the scoring server;
editing this copy changes nothing except your own understanding.
"""

import jax, jax.numpy as jnp
import numpy as np

N = 10000
E = 320000
D = 128
H = 128
G = 32
NUM_LAYERS = 3


def setup_inputs(seed: int = 0):
    key = jax.random.key(seed)
    ks = jax.random.split(key, 12)
    s = 1.0 / np.sqrt(H)
    inp = {}
    inp["node_feature"] = jax.random.normal(ks[0], (N, D), dtype=jnp.float32)
    inp["edge_index"] = jax.random.randint(ks[1], (2, E), 0, N, dtype=jnp.int32)
    inp["batch"] = jnp.sort(jax.random.randint(ks[2], (N,), 0, G, dtype=jnp.int32))
    inp["Wpre"] = jax.random.uniform(ks[3], (D, H), minval=-s, maxval=s, dtype=jnp.float32)
    inp["bpre"] = jnp.zeros((H,), dtype=jnp.float32)
    inp["W1s"] = jax.random.uniform(ks[4], (NUM_LAYERS, H, H), minval=-s, maxval=s, dtype=jnp.float32)
    inp["b1s"] = jnp.zeros((NUM_LAYERS, H), dtype=jnp.float32)
    inp["W2s"] = jax.random.uniform(ks[5], (NUM_LAYERS, H, H), minval=-s, maxval=s, dtype=jnp.float32)
    inp["b2s"] = jnp.zeros((NUM_LAYERS, H), dtype=jnp.float32)
    inp["gammas"] = jnp.ones((NUM_LAYERS - 1, H), dtype=jnp.float32)
    inp["betas"] = jnp.zeros((NUM_LAYERS - 1, H), dtype=jnp.float32)
    inp["Wp1"] = jax.random.uniform(ks[6], (H, H), minval=-s, maxval=s, dtype=jnp.float32)
    inp["bp1"] = jnp.zeros((H,), dtype=jnp.float32)
    inp["Wp2"] = jax.random.uniform(ks[7], (H, 1), minval=-s, maxval=s, dtype=jnp.float32)
    inp["bp2"] = jnp.zeros((1,), dtype=jnp.float32)
    return inp


def _gin_conv(x, edge_index, W1, b1, W2, b2):
    # GINConv with eps=0: h_i = MLP(x_i + sum_{j in N(i)} x_j)
    src = edge_index[0]
    dst = edge_index[1]
    agg = jax.ops.segment_sum(x[src], dst, num_segments=x.shape[0])
    h = x + agg
    h = jnp.maximum(h @ W1 + b1, 0.0)
    h = h @ W2 + b2
    return h


def _batch_norm(x, gamma, beta, eps=1e-5):
    mean = jnp.mean(x, axis=0)
    var = jnp.var(x, axis=0)
    return gamma * (x - mean) / jnp.sqrt(var + eps) + beta


def reference(node_feature, edge_index, batch, Wpre, bpre, W1s, b1s, W2s, b2s, gammas, betas, Wp1, bp1, Wp2, bp2):
    x = node_feature @ Wpre + bpre
    for i in range(NUM_LAYERS - 1):
        x = _gin_conv(x, edge_index, W1s[i], b1s[i], W2s[i], b2s[i])
        x = _batch_norm(x, gammas[i], betas[i])
    x = _gin_conv(x, edge_index, W1s[NUM_LAYERS - 1], b1s[NUM_LAYERS - 1], W2s[NUM_LAYERS - 1], b2s[NUM_LAYERS - 1])
    # global_mean_pool over graph ids
    sums = jax.ops.segment_sum(x, batch, num_segments=G)
    counts = jax.ops.segment_sum(jnp.ones((x.shape[0],), dtype=x.dtype), batch, num_segments=G)
    pooled = sums / jnp.maximum(counts, 1.0)[:, None]
    h = jnp.maximum(pooled @ Wp1 + bp1, 0.0)
    out = h @ Wp2 + bp2
    return out

if __name__ == "__main__":
    import jax
    _d = setup_inputs()
    print(jax.jit(kernel)(*tuple(_d.values())))

</pallas_src>

<mosaic_0001>
#map = affine_map<(d0, d1) -> (0, 0)>
#map1 = affine_map<(d0, d1) -> (0, 0, 0)>
module attributes {stable_mosaic.version = 14 : i64} {
  func.func @seg_kernel(%arg0: i32, %arg1: i32, %arg2: memref<10000x128xf32, #tpu.memory_space<hbm>>, %arg3: memref<32x100x100xi32, #tpu.memory_space<hbm>>, %arg4: memref<32x100x100xi32, #tpu.memory_space<hbm>>, %arg5: memref<640x128xf32, #tpu.memory_space<hbm>>, %arg6: memref<2x10240x128xf32, #tpu.memory_space<hbm>>, %arg7: memref<100x100xi32, #tpu.memory_space<vmem>>, %arg8: memref<100x100xi32, #tpu.memory_space<vmem>>, %arg9: memref<100x128xf32, #tpu.memory_space<vmem>>, %arg10: memref<10240x128xf32, #tpu.memory_space<vmem_shared>>, %arg11: memref<!tpu.dma_semaphore, #tpu.memory_space<semaphore_mem>>) attributes {dimension_semantics = [#tpu.dimension_semantics<core_parallel>, #tpu.dimension_semantics<subcore_parallel>], iteration_bounds = array<i64: 2, 16>, scalar_prefetch = 0 : i64, scratch_operands = 5 : i64, tpu.core_type = #tpu.core_type<sc_vector_subcore>, window_params = [{transform_indices = #map}, {transform_indices = #map1}, {transform_indices = #map1}, {transform_indices = #map}, {transform_indices = #map1}]} {
    %mul3A = arith.constant 16 : i32
    %mul3A_0 = arith.muli %arg0, %mul3A : i32
    %add3A = arith.addi %mul3A_0, %arg1 : i32
    %mul3A_1 = arith.constant 640 : i32
    %mul3A_2 = arith.muli %arg1, %mul3A_1 : i32
    "tpu.region"() ({
      %run_scoped3A = tpu.sem_alloc : memref<!tpu.dma_semaphore, #tpu.memory_space<semaphore_mem>>
      %dma_start3A = arith.constant 0 : i32
      %dma_start3A_13 = tpu.memref_slice %arg10[%mul3A_2, %dma_start3A] : memref<10240x128xf32, #tpu.memory_space<vmem_shared>> -> memref<640x128xf32, #tpu.memory_space<vmem_shared>>
      tpu.enqueue_dma source(%arg5 : memref<640x128xf32, #tpu.memory_space<hbm>>) target(%dma_start3A_13 : memref<640x128xf32, #tpu.memory_space<vmem_shared>>) target_semaphore(%run_scoped3A : memref<!tpu.dma_semaphore, #tpu.memory_space<semaphore_mem>>)
      %dma_wait3A = arith.constant 0 : i32
      %dma_wait3A_14 = tpu.memref_slice %arg10[%mul3A_2, %dma_wait3A] : memref<10240x128xf32, #tpu.memory_space<vmem_shared>> -> memref<640x128xf32, #tpu.memory_space<vmem_shared>>
      tpu.wait_dma2 semaphore(%run_scoped3A : memref<!tpu.dma_semaphore, #tpu.memory_space<semaphore_mem>>) src(%arg5 : memref<640x128xf32, #tpu.memory_space<hbm>>) dst(%dma_wait3A_14 : memref<640x128xf32, #tpu.memory_space<vmem_shared>>)
      tpu.yield
    }) : () -> ()
    "tpu.region"() ({
      %run_scoped3A = tpu.sem_alloc : memref<!tpu.dma_semaphore, #tpu.memory_space<semaphore_mem>>
      %dma_start3A = arith.constant 0 : i32
      %dma_start3A_13 = arith.constant 0 : i32
      %dma_start3A_14 = tpu.memref_slice %arg3[%add3A, %dma_start3A, %dma_start3A_13] : memref<32x100x100xi32, #tpu.memory_space<hbm>> -> memref<1x100x100xi32, #tpu.memory_space<hbm>>
      %dma_start3A_15 = tpu.memref_squeeze %dma_start3A_14 : memref<1x100x100xi32, #tpu.memory_space<hbm>> -> memref<100x100xi32, #tpu.memory_space<hbm>>
      %dma_start3A_16 = arith.constant 0 : i32
      %dma_start3A_17 = arith.constant 0 : i32
      %dma_start3A_18 = tpu.memref_slice %arg3[%add3A, %dma_start3A_16, %dma_start3A_17] : memref<32x100x100xi32, #tpu.memory_space<hbm>> -> memref<1x100x100xi32, #tpu.memory_space<hbm>>
      %dma_start3A_19 = tpu.memref_squeeze %dma_start3A_18 : memref<1x100x100xi32, #tpu.memory_space<hbm>> -> memref<100x100xi32, #tpu.memory_space<hbm>>
      tpu.enqueue_dma source(%dma_start3A_19 : memref<100x100xi32, #tpu.memory_space<hbm>>) target(%arg7 : memref<100x100xi32, #tpu.memory_space<vmem>>) target_semaphore(%run_scoped3A : memref<!tpu.dma_semaphore, #tpu.memory_space<semaphore_mem>>)
      %dma_wait3A = arith.constant 0 : i32
      %dma_wait3A_20 = arith.constant 0 : i32
      %dma_wait3A_21 = tpu.memref_slice %arg3[%add3A, %dma_wait3A, %dma_wait3A_20] : memref<32x100x100xi32, #tpu.memory_space<hbm>> -> memref<1x100x100xi32, #tpu.memory_space<hbm>>
      %dma_wait3A_22 = tpu.memref_squeeze %dma_wait3A_21 : memref<1x100x100xi32, #tpu.memory_space<hbm>> -> memref<100x100xi32, #tpu.memory_space<hbm>>
      %dma_wait3A_23 = arith.constant 0 : i32
      %dma_wait3A_24 = arith.constant 0 : i32
      %dma_wait3A_25 = tpu.memref_slice %arg3[%add3A, %dma_wait3A_23, %dma_wait3A_24] : memref<32x100x100xi32, #tpu.memory_space<hbm>> -> memref<1x100x100xi32, #tpu.memory_space<hbm>>
      %dma_wait3A_26 = tpu.memref_squeeze %dma_wait3A_25 : memref<1x100x100xi32, #tpu.memory_space<hbm>> -> memref<100x100xi32, #tpu.memory_space<hbm>>
      tpu.wait_dma2 semaphore(%run_scoped3A : memref<!tpu.dma_semaphore, #tpu.memory_space<semaphore_mem>>) src(%dma_wait3A_26 : memref<100x100xi32, #tpu.memory_space<hbm>>) dst(%arg7 : memref<100x100xi32, #tpu.memory_space<vmem>>)
      tpu.yield
    }) : () -> ()
    "tpu.region"() ({
      %run_scoped3A = tpu.sem_alloc : memref<!tpu.dma_semaphore, #tpu.memory_space<semaphore_mem>>
      %dma_start3A = arith.constant 0 : i32
      %dma_start3A_13 = arith.constant 0 : i32
      %dma_start3A_14 = tpu.memref_slice %arg4[%add3A, %dma_start3A, %dma_start3A_13] : memref<32x100x100xi32, #tpu.memory_space<hbm>> -> memref<1x100x100xi32, #tpu.memory_space<hbm>>
      %dma_start3A_15 = tpu.memref_squeeze %dma_start3A_14 : memref<1x100x100xi32, #tpu.memory_space<hbm>> -> memref<100x100xi32, #tpu.memory_space<hbm>>
      %dma_start3A_16 = arith.constant 0 : i32
      %dma_start3A_17 = arith.constant 0 : i32
      %dma_start3A_18 = tpu.memref_slice %arg4[%add3A, %dma_start3A_16, %dma_start3A_17] : memref<32x100x100xi32, #tpu.memory_space<hbm>> -> memref<1x100x100xi32, #tpu.memory_space<hbm>>
      %dma_start3A_19 = tpu.memref_squeeze %dma_start3A_18 : memref<1x100x100xi32, #tpu.memory_space<hbm>> -> memref<100x100xi32, #tpu.memory_space<hbm>>
      tpu.enqueue_dma source(%dma_start3A_19 : memref<100x100xi32, #tpu.memory_space<hbm>>) target(%arg8 : memref<100x100xi32, #tpu.memory_space<vmem>>) target_semaphore(%run_scoped3A : memref<!tpu.dma_semaphore, #tpu.memory_space<semaphore_mem>>)
      %dma_wait3A = arith.constant 0 : i32
      %dma_wait3A_20 = arith.constant 0 : i32
      %dma_wait3A_21 = tpu.memref_slice %arg4[%add3A, %dma_wait3A, %dma_wait3A_20] : memref<32x100x100xi32, #tpu.memory_space<hbm>> -> memref<1x100x100xi32, #tpu.memory_space<hbm>>
      %dma_wait3A_22 = tpu.memref_squeeze %dma_wait3A_21 : memref<1x100x100xi32, #tpu.memory_space<hbm>> -> memref<100x100xi32, #tpu.memory_space<hbm>>
      %dma_wait3A_23 = arith.constant 0 : i32
      %dma_wait3A_24 = arith.constant 0 : i32
      %dma_wait3A_25 = tpu.memref_slice %arg4[%add3A, %dma_wait3A_23, %dma_wait3A_24] : memref<32x100x100xi32, #tpu.memory_space<hbm>> -> memref<1x100x100xi32, #tpu.memory_space<hbm>>
      %dma_wait3A_26 = tpu.memref_squeeze %dma_wait3A_25 : memref<1x100x100xi32, #tpu.memory_space<hbm>> -> memref<100x100xi32, #tpu.memory_space<hbm>>
      tpu.wait_dma2 semaphore(%run_scoped3A : memref<!tpu.dma_semaphore, #tpu.memory_space<semaphore_mem>>) src(%dma_wait3A_26 : memref<100x100xi32, #tpu.memory_space<hbm>>) dst(%arg8 : memref<100x100xi32, #tpu.memory_space<vmem>>)
      tpu.yield
    }) : () -> ()
    %barrier3A = arith.constant 0 : index
    tpu.barrier barrier_id(%barrier3A)
    %scan3A = arith.constant 0 : i32
    %scan3A_3 = arith.constant 0 : i32
    %scan3A_4 = arith.constant 100 : i32
    %scan3A_5 = arith.addi %scan3A_3, %scan3A_4 : i32
    %scan3A_6 = arith.constant 1 : i32
    scf.for %scan3A_13 = %scan3A_3 to %scan3A_5 step %scan3A_6  : i32 {
      %dma_start3A = arith.constant 0 : i32
      %dma_start3A_14 = tpu.memref_slice %arg7[%scan3A_13, %dma_start3A] : memref<100x100xi32, #tpu.memory_space<vmem>> -> memref<1x100xi32, #tpu.memory_space<vmem>>
      %dma_start3A_15 = tpu.memref_squeeze %dma_start3A_14 : memref<1x100xi32, #tpu.memory_space<vmem>> -> memref<100xi32, #tpu.memory_space<vmem>>
      %dma_start3A_16 = arith.constant 0 : i32
      %dma_start3A_17 = arith.constant 0 : i32
      %dma_start3A_18 = tpu.memref_slice %arg2[%dma_start3A_16, %dma_start3A_17] : memref<10000x128xf32, #tpu.memory_space<hbm>> -> memref<10000x128xf32, #tpu.memory_space<hbm>>
      tpu.enqueue_indirect_dma source(%dma_start3A_18 : memref<10000x128xf32, #tpu.memory_space<hbm>>) target(%arg9 : memref<100x128xf32, #tpu.memory_space<vmem>>) offsets(%dma_start3A_15 : memref<100xi32, #tpu.memory_space<vmem>>) semaphore(%arg11 : memref<!tpu.dma_semaphore, #tpu.memory_space<semaphore_mem>>)
      %dma_wait3A = arith.constant 0 : i32
      %dma_wait3A_19 = tpu.memref_slice %arg7[%scan3A_13, %dma_wait3A] : memref<100x100xi32, #tpu.memory_space<vmem>> -> memref<1x100xi32, #tpu.memory_space<vmem>>
      %dma_wait3A_20 = tpu.memref_squeeze %dma_wait3A_19 : memref<1x100xi32, #tpu.memory_space<vmem>> -> memref<100xi32, #tpu.memory_space<vmem>>
      %dma_wait3A_21 = arith.constant 0 : i32
      %dma_wait3A_22 = arith.constant 0 : i32
      %dma_wait3A_23 = tpu.memref_slice %arg2[%dma_wait3A_21, %dma_wait3A_22] : memref<10000x128xf32, #tpu.memory_space<hbm>> -> memref<10000x128xf32, #tpu.memory_space<hbm>>
      tpu.wait_indirect_dma semaphore(%arg11 : memref<!tpu.dma_semaphore, #tpu.memory_space<semaphore_mem>>) src(%dma_wait3A_23 : memref<10000x128xf32, #tpu.memory_space<hbm>>) dst(%arg9 : memref<100x128xf32, #tpu.memory_space<vmem>>)
      "tpu.region"() ({
        %run_scoped3A = tpu.sem_alloc : memref<!tpu.dma_semaphore, #tpu.memory_space<semaphore_mem>>
        %dma_start3A_24 = arith.constant 0 : i32
        %dma_start3A_25 = tpu.memref_slice %arg8[%scan3A_13, %dma_start3A_24] : memref<100x100xi32, #tpu.memory_space<vmem>> -> memref<1x100xi32, #tpu.memory_space<vmem>>
        %dma_start3A_26 = tpu.memref_squeeze %dma_start3A_25 : memref<1x100xi32, #tpu.memory_space<vmem>> -> memref<100xi32, #tpu.memory_space<vmem>>
        %dma_start3A_27 = arith.constant 0 : i32
        %dma_start3A_28 = arith.constant 0 : i32
        %dma_start3A_29 = tpu.memref_slice %arg10[%dma_start3A_27, %dma_start3A_28] : memref<10240x128xf32, #tpu.memory_space<vmem_shared>> -> memref<10240x128xf32, #tpu.memory_space<vmem_shared>>
        tpu.enqueue_indirect_dma source(%arg9 : memref<100x128xf32, #tpu.memory_space<vmem>>) target(%dma_start3A_29 : memref<10240x128xf32, #tpu.memory_space<vmem_shared>>) offsets(%dma_start3A_26 : memref<100xi32, #tpu.memory_space<vmem>>) semaphore(%run_scoped3A : memref<!tpu.dma_semaphore, #tpu.memory_space<semaphore_mem>>) {add = true}
        %dma_wait3A_30 = arith.constant 0 : i32
        %dma_wait3A_31 = tpu.memref_slice %arg8[%scan3A_13, %dma_wait3A_30] : memref<100x100xi32, #tpu.memory_space<vmem>> -> memref<1x100xi32, #tpu.memory_space<vmem>>
        %dma_wait3A_32 = tpu.memref_squeeze %dma_wait3A_31 : memref<1x100xi32, #tpu.memory_space<vmem>> -> memref<100xi32, #tpu.memory_space<vmem>>
        %dma_wait3A_33 = arith.constant 0 : i32
        %dma_wait3A_34 = arith.constant 0 : i32
        %dma_wait3A_35 = tpu.memref_slice %arg10[%dma_wait3A_33, %dma_wait3A_34] : memref<10240x128xf32, #tpu.memory_space<vmem_shared>> -> memref<10240x128xf32, #tpu.memory_space<vmem_shared>>
        tpu.wait_indirect_dma semaphore(%run_scoped3A : memref<!tpu.dma_semaphore, #tpu.memory_space<semaphore_mem>>) src(%arg9 : memref<100x128xf32, #tpu.memory_space<vmem>>) dst(%dma_wait3A_35 : memref<10240x128xf32, #tpu.memory_space<vmem_shared>>)
        tpu.yield
      }) : () -> ()
    }
    %scan3A_7 = arith.constant 100 : i32
    %barrier3A_8 = arith.constant 0 : index
    tpu.barrier barrier_id(%barrier3A_8)
    %mul3A_9 = arith.constant 640 : i32
    %mul3A_10 = arith.muli %arg1, %mul3A_9 : i32
    %mul3A_11 = arith.constant 640 : i32
    %mul3A_12 = arith.muli %arg1, %mul3A_11 : i32
    "tpu.region"() ({
      %run_scoped3A = tpu.sem_alloc : memref<!tpu.dma_semaphore, #tpu.memory_space<semaphore_mem>>
      %dma_start3A = arith.constant 0 : i32
      %dma_start3A_13 = tpu.memref_slice %arg6[%arg0, %mul3A_12, %dma_start3A] : memref<2x10240x128xf32, #tpu.memory_space<hbm>> -> memref<1x640x128xf32, #tpu.memory_space<hbm>>
      %dma_start3A_14 = tpu.memref_squeeze %dma_start3A_13 : memref<1x640x128xf32, #tpu.memory_space<hbm>> -> memref<640x128xf32, #tpu.memory_space<hbm>>
      %dma_start3A_15 = arith.constant 0 : i32
      %dma_start3A_16 = tpu.memref_slice %arg10[%mul3A_10, %dma_start3A_15] : memref<10240x128xf32, #tpu.memory_space<vmem_shared>> -> memref<640x128xf32, #tpu.memory_space<vmem_shared>>
      tpu.enqueue_dma source(%dma_start3A_16 : memref<640x128xf32, #tpu.memory_space<vmem_shared>>) target(%dma_start3A_14 : memref<640x128xf32, #tpu.memory_space<hbm>>) target_semaphore(%run_scoped3A : memref<!tpu.dma_semaphore, #tpu.memory_space<semaphore_mem>>)
      %dma_wait3A = arith.constant 0 : i32
      %dma_wait3A_17 = tpu.memref_slice %arg6[%arg0, %mul3A_12, %dma_wait3A] : memref<2x10240x128xf32, #tpu.memory_space<hbm>> -> memref<1x640x128xf32, #tpu.memory_space<hbm>>
      %dma_wait3A_18 = tpu.memref_squeeze %dma_wait3A_17 : memref<1x640x128xf32, #tpu.memory_space<hbm>> -> memref<640x128xf32, #tpu.memory_space<hbm>>
      %dma_wait3A_19 = arith.constant 0 : i32
      %dma_wait3A_20 = tpu.memref_slice %arg10[%mul3A_10, %dma_wait3A_19] : memref<10240x128xf32, #tpu.memory_space<vmem_shared>> -> memref<640x128xf32, #tpu.memory_space<vmem_shared>>
      tpu.wait_dma2 semaphore(%run_scoped3A : memref<!tpu.dma_semaphore, #tpu.memory_space<semaphore_mem>>) src(%dma_wait3A_20 : memref<640x128xf32, #tpu.memory_space<vmem_shared>>) dst(%dma_wait3A_18 : memref<640x128xf32, #tpu.memory_space<hbm>>)
      tpu.yield
    }) : () -> ()
    return
  }
}

#map = affine_map<(d0, d1) -> (0, 0)>
#map1 = affine_map<(d0, d1) -> (0, 0, 0)>
module attributes {stable_mosaic.version = 14 : i64} {
  func.func @seg_kernel(%arg0: i32, %arg1: i32, %arg2: memref<10000x128xf32, #tpu.memory_space<hbm>>, %arg3: memref<32x100x100xi32, #tpu.memory_space<hbm>>, %arg4: memref<32x100x100xi32, #tpu.memory_space<hbm>>, %arg5: memref<640x128xf32, #tpu.memory_space<hbm>>, %arg6: memref<2x10240x128xf32, #tpu.memory_space<hbm>>, %arg7: memref<100x100xi32, #tpu.memory_space<vmem>>, %arg8: memref<100x100xi32, #tpu.memory_space<vmem>>, %arg9: memref<100x128xf32, #tpu.memory_space<vmem>>, %arg10: memref<10240x128xf32, #tpu.memory_space<vmem_shared>>, %arg11: memref<!tpu.dma_semaphore, #tpu.memory_space<semaphore_mem>>) attributes {dimension_semantics = [#tpu.dimension_semantics<core_parallel>, #tpu.dimension_semantics<subcore_parallel>], iteration_bounds = array<i64: 2, 16>, scalar_prefetch = 0 : i64, scratch_operands = 5 : i64, tpu.core_type = #tpu.core_type<sc_vector_subcore>, window_params = [{transform_indices = #map}, {transform_indices = #map1}, {transform_indices = #map1}, {transform_indices = #map}, {transform_indices = #map1}]} {
    %mul3A = arith.constant 16 : i32
    %mul3A_0 = arith.muli %arg0, %mul3A : i32
    %add3A = arith.addi %mul3A_0, %arg1 : i32
    %mul3A_1 = arith.constant 640 : i32
    %mul3A_2 = arith.muli %arg1, %mul3A_1 : i32
    "tpu.region"() ({
      %run_scoped3A = tpu.sem_alloc : memref<!tpu.dma_semaphore, #tpu.memory_space<semaphore_mem>>
      %dma_start3A = arith.constant 0 : i32
      %dma_start3A_13 = tpu.memref_slice %arg10[%mul3A_2, %dma_start3A] : memref<10240x128xf32, #tpu.memory_space<vmem_shared>> -> memref<640x128xf32, #tpu.memory_space<vmem_shared>>
      tpu.enqueue_dma source(%arg5 : memref<640x128xf32, #tpu.memory_space<hbm>>) target(%dma_start3A_13 : memref<640x128xf32, #tpu.memory_space<vmem_shared>>) target_semaphore(%run_scoped3A : memref<!tpu.dma_semaphore, #tpu.memory_space<semaphore_mem>>)
      %dma_wait3A = arith.constant 0 : i32
      %dma_wait3A_14 = tpu.memref_slice %arg10[%mul3A_2, %dma_wait3A] : memref<10240x128xf32, #tpu.memory_space<vmem_shared>> -> memref<640x128xf32, #tpu.memory_space<vmem_shared>>
      tpu.wait_dma2 semaphore(%run_scoped3A : memref<!tpu.dma_semaphore, #tpu.memory_space<semaphore_mem>>) src(%arg5 : memref<640x128xf32, #tpu.memory_space<hbm>>) dst(%dma_wait3A_14 : memref<640x128xf32, #tpu.memory_space<vmem_shared>>)
      tpu.yield
    }) : () -> ()
    "tpu.region"() ({
      %run_scoped3A = tpu.sem_alloc : memref<!tpu.dma_semaphore, #tpu.memory_space<semaphore_mem>>
      %dma_start3A = arith.constant 0 : i32
      %dma_start3A_13 = arith.constant 0 : i32
      %dma_start3A_14 = tpu.memref_slice %arg3[%add3A, %dma_start3A, %dma_start3A_13] : memref<32x100x100xi32, #tpu.memory_space<hbm>> -> memref<1x100x100xi32, #tpu.memory_space<hbm>>
      %dma_start3A_15 = tpu.memref_squeeze %dma_start3A_14 : memref<1x100x100xi32, #tpu.memory_space<hbm>> -> memref<100x100xi32, #tpu.memory_space<hbm>>
      %dma_start3A_16 = arith.constant 0 : i32
      %dma_start3A_17 = arith.constant 0 : i32
      %dma_start3A_18 = tpu.memref_slice %arg3[%add3A, %dma_start3A_16, %dma_start3A_17] : memref<32x100x100xi32, #tpu.memory_space<hbm>> -> memref<1x100x100xi32, #tpu.memory_space<hbm>>
      %dma_start3A_19 = tpu.memref_squeeze %dma_start3A_18 : memref<1x100x100xi32, #tpu.memory_space<hbm>> -> memref<100x100xi32, #tpu.memory_space<hbm>>
      tpu.enqueue_dma source(%dma_start3A_19 : memref<100x100xi32, #tpu.memory_space<hbm>>) target(%arg7 : memref<100x100xi32, #tpu.memory_space<vmem>>) target_semaphore(%run_scoped3A : memref<!tpu.dma_semaphore, #tpu.memory_space<semaphore_mem>>)
      %dma_wait3A = arith.constant 0 : i32
      %dma_wait3A_20 = arith.constant 0 : i32
      %dma_wait3A_21 = tpu.memref_slice %arg3[%add3A, %dma_wait3A, %dma_wait3A_20] : memref<32x100x100xi32, #tpu.memory_space<hbm>> -> memref<1x100x100xi32, #tpu.memory_space<hbm>>
      %dma_wait3A_22 = tpu.memref_squeeze %dma_wait3A_21 : memref<1x100x100xi32, #tpu.memory_space<hbm>> -> memref<100x100xi32, #tpu.memory_space<hbm>>
      %dma_wait3A_23 = arith.constant 0 : i32
      %dma_wait3A_24 = arith.constant 0 : i32
      %dma_wait3A_25 = tpu.memref_slice %arg3[%add3A, %dma_wait3A_23, %dma_wait3A_24] : memref<32x100x100xi32, #tpu.memory_space<hbm>> -> memref<1x100x100xi32, #tpu.memory_space<hbm>>
      %dma_wait3A_26 = tpu.memref_squeeze %dma_wait3A_25 : memref<1x100x100xi32, #tpu.memory_space<hbm>> -> memref<100x100xi32, #tpu.memory_space<hbm>>
      tpu.wait_dma2 semaphore(%run_scoped3A : memref<!tpu.dma_semaphore, #tpu.memory_space<semaphore_mem>>) src(%dma_wait3A_26 : memref<100x100xi32, #tpu.memory_space<hbm>>) dst(%arg7 : memref<100x100xi32, #tpu.memory_space<vmem>>)
      tpu.yield
    }) : () -> ()
    "tpu.region"() ({
      %run_scoped3A = tpu.sem_alloc : memref<!tpu.dma_semaphore, #tpu.memory_space<semaphore_mem>>
      %dma_start3A = arith.constant 0 : i32
      %dma_start3A_13 = arith.constant 0 : i32
      %dma_start3A_14 = tpu.memref_slice %arg4[%add3A, %dma_start3A, %dma_start3A_13] : memref<32x100x100xi32, #tpu.memory_space<hbm>> -> memref<1x100x100xi32, #tpu.memory_space<hbm>>
      %dma_start3A_15 = tpu.memref_squeeze %dma_start3A_14 : memref<1x100x100xi32, #tpu.memory_space<hbm>> -> memref<100x100xi32, #tpu.memory_space<hbm>>
      %dma_start3A_16 = arith.constant 0 : i32
      %dma_start3A_17 = arith.constant 0 : i32
      %dma_start3A_18 = tpu.memref_slice %arg4[%add3A, %dma_start3A_16, %dma_start3A_17] : memref<32x100x100xi32, #tpu.memory_space<hbm>> -> memref<1x100x100xi32, #tpu.memory_space<hbm>>
      %dma_start3A_19 = tpu.memref_squeeze %dma_start3A_18 : memref<1x100x100xi32, #tpu.memory_space<hbm>> -> memref<100x100xi32, #tpu.memory_space<hbm>>
      tpu.enqueue_dma source(%dma_start3A_19 : memref<100x100xi32, #tpu.memory_space<hbm>>) target(%arg8 : memref<100x100xi32, #tpu.memory_space<vmem>>) target_semaphore(%run_scoped3A : memref<!tpu.dma_semaphore, #tpu.memory_space<semaphore_mem>>)
      %dma_wait3A = arith.constant 0 : i32
      %dma_wait3A_20 = arith.constant 0 : i32
      %dma_wait3A_21 = tpu.memref_slice %arg4[%add3A, %dma_wait3A, %dma_wait3A_20] : memref<32x100x100xi32, #tpu.memory_space<hbm>> -> memref<1x100x100xi32, #tpu.memory_space<hbm>>
      %dma_wait3A_22 = tpu.memref_squeeze %dma_wait3A_21 : memref<1x100x100xi32, #tpu.memory_space<hbm>> -> memref<100x100xi32, #tpu.memory_space<hbm>>
      %dma_wait3A_23 = arith.constant 0 : i32
      %dma_wait3A_24 = arith.constant 0 : i32
      %dma_wait3A_25 = tpu.memref_slice %arg4[%add3A, %dma_wait3A_23, %dma_wait3A_24] : memref<32x100x100xi32, #tpu.memory_space<hbm>> -> memref<1x100x100xi32, #tpu.memory_space<hbm>>
      %dma_wait3A_26 = tpu.memref_squeeze %dma_wait3A_25 : memref<1x100x100xi32, #tpu.memory_space<hbm>> -> memref<100x100xi32, #tpu.memory_space<hbm>>
      tpu.wait_dma2 semaphore(%run_scoped3A : memref<!tpu.dma_semaphore, #tpu.memory_space<semaphore_mem>>) src(%dma_wait3A_26 : memref<100x100xi32, #tpu.memory_space<hbm>>) dst(%arg8 : memref<100x100xi32, #tpu.memory_space<vmem>>)
      tpu.yield
    }) : () -> ()
    %barrier3A = arith.constant 0 : index
    tpu.barrier barrier_id(%barrier3A)
    %scan3A = arith.constant 0 : i32
    %scan3A_3 = arith.constant 0 : i32
    %scan3A_4 = arith.constant 100 : i32
    %scan3A_5 = arith.addi %scan3A_3, %scan3A_4 : i32
    %scan3A_6 = arith.constant 1 : i32
    scf.for %scan3A_13 = %scan3A_3 to %scan3A_5 step %scan3A_6  : i32 {
      %dma_start3A = arith.constant 0 : i32
      %dma_start3A_14 = tpu.memref_slice %arg7[%scan3A_13, %dma_start3A] : memref<100x100xi32, #tpu.memory_space<vmem>> -> memref<1x100xi32, #tpu.memory_space<vmem>>
      %dma_start3A_15 = tpu.memref_squeeze %dma_start3A_14 : memref<1x100xi32, #tpu.memory_space<vmem>> -> memref<100xi32, #tpu.memory_space<vmem>>
      %dma_start3A_16 = arith.constant 0 : i32
      %dma_start3A_17 = arith.constant 0 : i32
      %dma_start3A_18 = tpu.memref_slice %arg2[%dma_start3A_16, %dma_start3A_17] : memref<10000x128xf32, #tpu.memory_space<hbm>> -> memref<10000x128xf32, #tpu.memory_space<hbm>>
      tpu.enqueue_indirect_dma source(%dma_start3A_18 : memref<10000x128xf32, #tpu.memory_space<hbm>>) target(%arg9 : memref<100x128xf32, #tpu.memory_space<vmem>>) offsets(%dma_start3A_15 : memref<100xi32, #tpu.memory_space<vmem>>) semaphore(%arg11 : memref<!tpu.dma_semaphore, #tpu.memory_space<semaphore_mem>>)
      %dma_wait3A = arith.constant 0 : i32
      %dma_wait3A_19 = tpu.memref_slice %arg7[%scan3A_13, %dma_wait3A] : memref<100x100xi32, #tpu.memory_space<vmem>> -> memref<1x100xi32, #tpu.memory_space<vmem>>
      %dma_wait3A_20 = tpu.memref_squeeze %dma_wait3A_19 : memref<1x100xi32, #tpu.memory_space<vmem>> -> memref<100xi32, #tpu.memory_space<vmem>>
      %dma_wait3A_21 = arith.constant 0 : i32
      %dma_wait3A_22 = arith.constant 0 : i32
      %dma_wait3A_23 = tpu.memref_slice %arg2[%dma_wait3A_21, %dma_wait3A_22] : memref<10000x128xf32, #tpu.memory_space<hbm>> -> memref<10000x128xf32, #tpu.memory_space<hbm>>
      tpu.wait_indirect_dma semaphore(%arg11 : memref<!tpu.dma_semaphore, #tpu.memory_space<semaphore_mem>>) src(%dma_wait3A_23 : memref<10000x128xf32, #tpu.memory_space<hbm>>) dst(%arg9 : memref<100x128xf32, #tpu.memory_space<vmem>>)
      "tpu.region"() ({
        %run_scoped3A = tpu.sem_alloc : memref<!tpu.dma_semaphore, #tpu.memory_space<semaphore_mem>>
        %dma_start3A_24 = arith.constant 0 : i32
        %dma_start3A_25 = tpu.memref_slice %arg8[%scan3A_13, %dma_start3A_24] : memref<100x100xi32, #tpu.memory_space<vmem>> -> memref<1x100xi32, #tpu.memory_space<vmem>>
        %dma_start3A_26 = tpu.memref_squeeze %dma_start3A_25 : memref<1x100xi32, #tpu.memory_space<vmem>> -> memref<100xi32, #tpu.memory_space<vmem>>
        %dma_start3A_27 = arith.constant 0 : i32
        %dma_start3A_28 = arith.constant 0 : i32
        %dma_start3A_29 = tpu.memref_slice %arg10[%dma_start3A_27, %dma_start3A_28] : memref<10240x128xf32, #tpu.memory_space<vmem_shared>> -> memref<10240x128xf32, #tpu.memory_space<vmem_shared>>
        tpu.enqueue_indirect_dma source(%arg9 : memref<100x128xf32, #tpu.memory_space<vmem>>) target(%dma_start3A_29 : memref<10240x128xf32, #tpu.memory_space<vmem_shared>>) offsets(%dma_start3A_26 : memref<100xi32, #tpu.memory_space<vmem>>) semaphore(%run_scoped3A : memref<!tpu.dma_semaphore, #tpu.memory_space<semaphore_mem>>) {add = true}
        %dma_wait3A_30 = arith.constant 0 : i32
        %dma_wait3A_31 = tpu.memref_slice %arg8[%scan3A_13, %dma_wait3A_30] : memref<100x100xi32, #tpu.memory_space<vmem>> -> memref<1x100xi32, #tpu.memory_space<vmem>>
        %dma_wait3A_32 = tpu.memref_squeeze %dma_wait3A_31 : memref<1x100xi32, #tpu.memory_space<vmem>> -> memref<100xi32, #tpu.memory_space<vmem>>
        %dma_wait3A_33 = arith.constant 0 : i32
        %dma_wait3A_34 = arith.constant 0 : i32
        %dma_wait3A_35 = tpu.memref_slice %arg10[%dma_wait3A_33, %dma_wait3A_34] : memref<10240x128xf32, #tpu.memory_space<vmem_shared>> -> memref<10240x128xf32, #tpu.memory_space<vmem_shared>>
        tpu.wait_indirect_dma semaphore(%run_scoped3A : memref<!tpu.dma_semaphore, #tpu.memory_space<semaphore_mem>>) src(%arg9 : memref<100x128xf32, #tpu.memory_space<vmem>>) dst(%dma_wait3A_35 : memref<10240x128xf32, #tpu.memory_space<vmem_shared>>)
        tpu.yield
      }) : () -> ()
    }
    %scan3A_7 = arith.constant 100 : i32
    %barrier3A_8 = arith.constant 0 : index
    tpu.barrier barrier_id(%barrier3A_8)
    %mul3A_9 = arith.constant 640 : i32
    %mul3A_10 = arith.muli %arg1, %mul3A_9 : i32
    %mul3A_11 = arith.constant 640 : i32
    %mul3A_12 = arith.muli %arg1, %mul3A_11 : i32
    "tpu.region"() ({
      %run_scoped3A = tpu.sem_alloc : memref<!tpu.dma_semaphore, #tpu.memory_space<semaphore_mem>>
      %dma_start3A = arith.constant 0 : i32
      %dma_start3A_13 = tpu.memref_slice %arg6[%arg0, %mul3A_12, %dma_start3A] : memref<2x10240x128xf32, #tpu.memory_space<hbm>> -> memref<1x640x128xf32, #tpu.memory_space<hbm>>
      %dma_start3A_14 = tpu.memref_squeeze %dma_start3A_13 : memref<1x640x128xf32, #tpu.memory_space<hbm>> -> memref<640x128xf32, #tpu.memory_space<hbm>>
      %dma_start3A_15 = arith.constant 0 : i32
      %dma_start3A_16 = tpu.memref_slice %arg10[%mul3A_10, %dma_start3A_15] : memref<10240x128xf32, #tpu.memory_space<vmem_shared>> -> memref<640x128xf32, #tpu.memory_space<vmem_shared>>
      tpu.enqueue_dma source(%dma_start3A_16 : memref<640x128xf32, #tpu.memory_space<vmem_shared>>) target(%dma_start3A_14 : memref<640x128xf32, #tpu.memory_space<hbm>>) target_semaphore(%run_scoped3A : memref<!tpu.dma_semaphore, #tpu.memory_space<semaphore_mem>>)
      %dma_wait3A = arith.constant 0 : i32
      %dma_wait3A_17 = tpu.memref_slice %arg6[%arg0, %mul3A_12, %dma_wait3A] : memref<2x10240x128xf32, #tpu.memory_space<hbm>> -> memref<1x640x128xf32, #tpu.memory_space<hbm>>
      %dma_wait3A_18 = tpu.memref_squeeze %dma_wait3A_17 : memref<1x640x128xf32, #tpu.memory_space<hbm>> -> memref<640x128xf32, #tpu.memory_space<hbm>>
      %dma_wait3A_19 = arith.constant 0 : i32
      %dma_wait3A_20 = tpu.memref_slice %arg10[%mul3A_10, %dma_wait3A_19] : memref<10240x128xf32, #tpu.memory_space<vmem_shared>> -> memref<640x128xf32, #tpu.memory_space<vmem_shared>>
      tpu.wait_dma2 semaphore(%run_scoped3A : memref<!tpu.dma_semaphore, #tpu.memory_space<semaphore_mem>>) src(%dma_wait3A_20 : memref<640x128xf32, #tpu.memory_space<vmem_shared>>) dst(%dma_wait3A_18 : memref<640x128xf32, #tpu.memory_space<hbm>>)
      tpu.yield
    }) : () -> ()
    return
  }
}

#map = affine_map<(d0, d1) -> (0, 0)>
#map1 = affine_map<(d0, d1) -> (0, 0, 0)>
module attributes {stable_mosaic.version = 14 : i64} {
  func.func @seg_kernel(%arg0: i32, %arg1: i32, %arg2: memref<10000x128xf32, #tpu.memory_space<hbm>>, %arg3: memref<32x100x100xi32, #tpu.memory_space<hbm>>, %arg4: memref<32x100x100xi32, #tpu.memory_space<hbm>>, %arg5: memref<640x128xf32, #tpu.memory_space<hbm>>, %arg6: memref<2x10240x128xf32, #tpu.memory_space<hbm>>, %arg7: memref<100x100xi32, #tpu.memory_space<vmem>>, %arg8: memref<100x100xi32, #tpu.memory_space<vmem>>, %arg9: memref<100x128xf32, #tpu.memory_space<vmem>>, %arg10: memref<10240x128xf32, #tpu.memory_space<vmem_shared>>, %arg11: memref<!tpu.dma_semaphore, #tpu.memory_space<semaphore_mem>>) attributes {dimension_semantics = [#tpu.dimension_semantics<core_parallel>, #tpu.dimension_semantics<subcore_parallel>], iteration_bounds = array<i64: 2, 16>, scalar_prefetch = 0 : i64, scratch_operands = 5 : i64, tpu.core_type = #tpu.core_type<sc_vector_subcore>, window_params = [{transform_indices = #map}, {transform_indices = #map1}, {transform_indices = #map1}, {transform_indices = #map}, {transform_indices = #map1}]} {
    %mul3A = arith.constant 16 : i32
    %mul3A_0 = arith.muli %arg0, %mul3A : i32
    %add3A = arith.addi %mul3A_0, %arg1 : i32
    %mul3A_1 = arith.constant 640 : i32
    %mul3A_2 = arith.muli %arg1, %mul3A_1 : i32
    "tpu.region"() ({
      %run_scoped3A = tpu.sem_alloc : memref<!tpu.dma_semaphore, #tpu.memory_space<semaphore_mem>>
      %dma_start3A = arith.constant 0 : i32
      %dma_start3A_13 = tpu.memref_slice %arg10[%mul3A_2, %dma_start3A] : memref<10240x128xf32, #tpu.memory_space<vmem_shared>> -> memref<640x128xf32, #tpu.memory_space<vmem_shared>>
      tpu.enqueue_dma source(%arg5 : memref<640x128xf32, #tpu.memory_space<hbm>>) target(%dma_start3A_13 : memref<640x128xf32, #tpu.memory_space<vmem_shared>>) target_semaphore(%run_scoped3A : memref<!tpu.dma_semaphore, #tpu.memory_space<semaphore_mem>>)
      %dma_wait3A = arith.constant 0 : i32
      %dma_wait3A_14 = tpu.memref_slice %arg10[%mul3A_2, %dma_wait3A] : memref<10240x128xf32, #tpu.memory_space<vmem_shared>> -> memref<640x128xf32, #tpu.memory_space<vmem_shared>>
      tpu.wait_dma2 semaphore(%run_scoped3A : memref<!tpu.dma_semaphore, #tpu.memory_space<semaphore_mem>>) src(%arg5 : memref<640x128xf32, #tpu.memory_space<hbm>>) dst(%dma_wait3A_14 : memref<640x128xf32, #tpu.memory_space<vmem_shared>>)
      tpu.yield
    }) : () -> ()
    "tpu.region"() ({
      %run_scoped3A = tpu.sem_alloc : memref<!tpu.dma_semaphore, #tpu.memory_space<semaphore_mem>>
      %dma_start3A = arith.constant 0 : i32
      %dma_start3A_13 = arith.constant 0 : i32
      %dma_start3A_14 = tpu.memref_slice %arg3[%add3A, %dma_start3A, %dma_start3A_13] : memref<32x100x100xi32, #tpu.memory_space<hbm>> -> memref<1x100x100xi32, #tpu.memory_space<hbm>>
      %dma_start3A_15 = tpu.memref_squeeze %dma_start3A_14 : memref<1x100x100xi32, #tpu.memory_space<hbm>> -> memref<100x100xi32, #tpu.memory_space<hbm>>
      %dma_start3A_16 = arith.constant 0 : i32
      %dma_start3A_17 = arith.constant 0 : i32
      %dma_start3A_18 = tpu.memref_slice %arg3[%add3A, %dma_start3A_16, %dma_start3A_17] : memref<32x100x100xi32, #tpu.memory_space<hbm>> -> memref<1x100x100xi32, #tpu.memory_space<hbm>>
      %dma_start3A_19 = tpu.memref_squeeze %dma_start3A_18 : memref<1x100x100xi32, #tpu.memory_space<hbm>> -> memref<100x100xi32, #tpu.memory_space<hbm>>
      tpu.enqueue_dma source(%dma_start3A_19 : memref<100x100xi32, #tpu.memory_space<hbm>>) target(%arg7 : memref<100x100xi32, #tpu.memory_space<vmem>>) target_semaphore(%run_scoped3A : memref<!tpu.dma_semaphore, #tpu.memory_space<semaphore_mem>>)
      %dma_wait3A = arith.constant 0 : i32
      %dma_wait3A_20 = arith.constant 0 : i32
      %dma_wait3A_21 = tpu.memref_slice %arg3[%add3A, %dma_wait3A, %dma_wait3A_20] : memref<32x100x100xi32, #tpu.memory_space<hbm>> -> memref<1x100x100xi32, #tpu.memory_space<hbm>>
      %dma_wait3A_22 = tpu.memref_squeeze %dma_wait3A_21 : memref<1x100x100xi32, #tpu.memory_space<hbm>> -> memref<100x100xi32, #tpu.memory_space<hbm>>
      %dma_wait3A_23 = arith.constant 0 : i32
      %dma_wait3A_24 = arith.constant 0 : i32
      %dma_wait3A_25 = tpu.memref_slice %arg3[%add3A, %dma_wait3A_23, %dma_wait3A_24] : memref<32x100x100xi32, #tpu.memory_space<hbm>> -> memref<1x100x100xi32, #tpu.memory_space<hbm>>
      %dma_wait3A_26 = tpu.memref_squeeze %dma_wait3A_25 : memref<1x100x100xi32, #tpu.memory_space<hbm>> -> memref<100x100xi32, #tpu.memory_space<hbm>>
      tpu.wait_dma2 semaphore(%run_scoped3A : memref<!tpu.dma_semaphore, #tpu.memory_space<semaphore_mem>>) src(%dma_wait3A_26 : memref<100x100xi32, #tpu.memory_space<hbm>>) dst(%arg7 : memref<100x100xi32, #tpu.memory_space<vmem>>)
      tpu.yield
    }) : () -> ()
    "tpu.region"() ({
      %run_scoped3A = tpu.sem_alloc : memref<!tpu.dma_semaphore, #tpu.memory_space<semaphore_mem>>
      %dma_start3A = arith.constant 0 : i32
      %dma_start3A_13 = arith.constant 0 : i32
      %dma_start3A_14 = tpu.memref_slice %arg4[%add3A, %dma_start3A, %dma_start3A_13] : memref<32x100x100xi32, #tpu.memory_space<hbm>> -> memref<1x100x100xi32, #tpu.memory_space<hbm>>
      %dma_start3A_15 = tpu.memref_squeeze %dma_start3A_14 : memref<1x100x100xi32, #tpu.memory_space<hbm>> -> memref<100x100xi32, #tpu.memory_space<hbm>>
      %dma_start3A_16 = arith.constant 0 : i32
      %dma_start3A_17 = arith.constant 0 : i32
      %dma_start3A_18 = tpu.memref_slice %arg4[%add3A, %dma_start3A_16, %dma_start3A_17] : memref<32x100x100xi32, #tpu.memory_space<hbm>> -> memref<1x100x100xi32, #tpu.memory_space<hbm>>
      %dma_start3A_19 = tpu.memref_squeeze %dma_start3A_18 : memref<1x100x100xi32, #tpu.memory_space<hbm>> -> memref<100x100xi32, #tpu.memory_space<hbm>>
      tpu.enqueue_dma source(%dma_start3A_19 : memref<100x100xi32, #tpu.memory_space<hbm>>) target(%arg8 : memref<100x100xi32, #tpu.memory_space<vmem>>) target_semaphore(%run_scoped3A : memref<!tpu.dma_semaphore, #tpu.memory_space<semaphore_mem>>)
      %dma_wait3A = arith.constant 0 : i32
      %dma_wait3A_20 = arith.constant 0 : i32
      %dma_wait3A_21 = tpu.memref_slice %arg4[%add3A, %dma_wait3A, %dma_wait3A_20] : memref<32x100x100xi32, #tpu.memory_space<hbm>> -> memref<1x100x100xi32, #tpu.memory_space<hbm>>
      %dma_wait3A_22 = tpu.memref_squeeze %dma_wait3A_21 : memref<1x100x100xi32, #tpu.memory_space<hbm>> -> memref<100x100xi32, #tpu.memory_space<hbm>>
      %dma_wait3A_23 = arith.constant 0 : i32
      %dma_wait3A_24 = arith.constant 0 : i32
      %dma_wait3A_25 = tpu.memref_slice %arg4[%add3A, %dma_wait3A_23, %dma_wait3A_24] : memref<32x100x100xi32, #tpu.memory_space<hbm>> -> memref<1x100x100xi32, #tpu.memory_space<hbm>>
      %dma_wait3A_26 = tpu.memref_squeeze %dma_wait3A_25 : memref<1x100x100xi32, #tpu.memory_space<hbm>> -> memref<100x100xi32, #tpu.memory_space<hbm>>
      tpu.wait_dma2 semaphore(%run_scoped3A : memref<!tpu.dma_semaphore, #tpu.memory_space<semaphore_mem>>) src(%dma_wait3A_26 : memref<100x100xi32, #tpu.memory_space<hbm>>) dst(%arg8 : memref<100x100xi32, #tpu.memory_space<vmem>>)
      tpu.yield
    }) : () -> ()
    %barrier3A = arith.constant 0 : index
    tpu.barrier barrier_id(%barrier3A)
    %scan3A = arith.constant 0 : i32
    %scan3A_3 = arith.constant 0 : i32
    %scan3A_4 = arith.constant 100 : i32
    %scan3A_5 = arith.addi %scan3A_3, %scan3A_4 : i32
    %scan3A_6 = arith.constant 1 : i32
    scf.for %scan3A_13 = %scan3A_3 to %scan3A_5 step %scan3A_6  : i32 {
      %dma_start3A = arith.constant 0 : i32
      %dma_start3A_14 = tpu.memref_slice %arg7[%scan3A_13, %dma_start3A] : memref<100x100xi32, #tpu.memory_space<vmem>> -> memref<1x100xi32, #tpu.memory_space<vmem>>
      %dma_start3A_15 = tpu.memref_squeeze %dma_start3A_14 : memref<1x100xi32, #tpu.memory_space<vmem>> -> memref<100xi32, #tpu.memory_space<vmem>>
      %dma_start3A_16 = arith.constant 0 : i32
      %dma_start3A_17 = arith.constant 0 : i32
      %dma_start3A_18 = tpu.memref_slice %arg2[%dma_start3A_16, %dma_start3A_17] : memref<10000x128xf32, #tpu.memory_space<hbm>> -> memref<10000x128xf32, #tpu.memory_space<hbm>>
      tpu.enqueue_indirect_dma source(%dma_start3A_18 : memref<10000x128xf32, #tpu.memory_space<hbm>>) target(%arg9 : memref<100x128xf32, #tpu.memory_space<vmem>>) offsets(%dma_start3A_15 : memref<100xi32, #tpu.memory_space<vmem>>) semaphore(%arg11 : memref<!tpu.dma_semaphore, #tpu.memory_space<semaphore_mem>>)
      %dma_wait3A = arith.constant 0 : i32
      %dma_wait3A_19 = tpu.memref_slice %arg7[%scan3A_13, %dma_wait3A] : memref<100x100xi32, #tpu.memory_space<vmem>> -> memref<1x100xi32, #tpu.memory_space<vmem>>
      %dma_wait3A_20 = tpu.memref_squeeze %dma_wait3A_19 : memref<1x100xi32, #tpu.memory_space<vmem>> -> memref<100xi32, #tpu.memory_space<vmem>>
      %dma_wait3A_21 = arith.constant 0 : i32
      %dma_wait3A_22 = arith.constant 0 : i32
      %dma_wait3A_23 = tpu.memref_slice %arg2[%dma_wait3A_21, %dma_wait3A_22] : memref<10000x128xf32, #tpu.memory_space<hbm>> -> memref<10000x128xf32, #tpu.memory_space<hbm>>
      tpu.wait_indirect_dma semaphore(%arg11 : memref<!tpu.dma_semaphore, #tpu.memory_space<semaphore_mem>>) src(%dma_wait3A_23 : memref<10000x128xf32, #tpu.memory_space<hbm>>) dst(%arg9 : memref<100x128xf32, #tpu.memory_space<vmem>>)
      "tpu.region"() ({
        %run_scoped3A = tpu.sem_alloc : memref<!tpu.dma_semaphore, #tpu.memory_space<semaphore_mem>>
        %dma_start3A_24 = arith.constant 0 : i32
        %dma_start3A_25 = tpu.memref_slice %arg8[%scan3A_13, %dma_start3A_24] : memref<100x100xi32, #tpu.memory_space<vmem>> -> memref<1x100xi32, #tpu.memory_space<vmem>>
        %dma_start3A_26 = tpu.memref_squeeze %dma_start3A_25 : memref<1x100xi32, #tpu.memory_space<vmem>> -> memref<100xi32, #tpu.memory_space<vmem>>
        %dma_start3A_27 = arith.constant 0 : i32
        %dma_start3A_28 = arith.constant 0 : i32
        %dma_start3A_29 = tpu.memref_slice %arg10[%dma_start3A_27, %dma_start3A_28] : memref<10240x128xf32, #tpu.memory_space<vmem_shared>> -> memref<10240x128xf32, #tpu.memory_space<vmem_shared>>
        tpu.enqueue_indirect_dma source(%arg9 : memref<100x128xf32, #tpu.memory_space<vmem>>) target(%dma_start3A_29 : memref<10240x128xf32, #tpu.memory_space<vmem_shared>>) offsets(%dma_start3A_26 : memref<100xi32, #tpu.memory_space<vmem>>) semaphore(%run_scoped3A : memref<!tpu.dma_semaphore, #tpu.memory_space<semaphore_mem>>) {add = true}
        %dma_wait3A_30 = arith.constant 0 : i32
        %dma_wait3A_31 = tpu.memref_slice %arg8[%scan3A_13, %dma_wait3A_30] : memref<100x100xi32, #tpu.memory_space<vmem>> -> memref<1x100xi32, #tpu.memory_space<vmem>>
        %dma_wait3A_32 = tpu.memref_squeeze %dma_wait3A_31 : memref<1x100xi32, #tpu.memory_space<vmem>> -> memref<100xi32, #tpu.memory_space<vmem>>
        %dma_wait3A_33 = arith.constant 0 : i32
        %dma_wait3A_34 = arith.constant 0 : i32
        %dma_wait3A_35 = tpu.memref_slice %arg10[%dma_wait3A_33, %dma_wait3A_34] : memref<10240x128xf32, #tpu.memory_space<vmem_shared>> -> memref<10240x128xf32, #tpu.memory_space<vmem_shared>>
        tpu.wait_indirect_dma semaphore(%run_scoped3A : memref<!tpu.dma_semaphore, #tpu.memory_space<semaphore_mem>>) src(%arg9 : memref<100x128xf32, #tpu.memory_space<vmem>>) dst(%dma_wait3A_35 : memref<10240x128xf32, #tpu.memory_space<vmem_shared>>)
        tpu.yield
      }) : () -> ()
    }
    %scan3A_7 = arith.constant 100 : i32
    %barrier3A_8 = arith.constant 0 : index
    tpu.barrier barrier_id(%barrier3A_8)
    %mul3A_9 = arith.constant 640 : i32
    %mul3A_10 = arith.muli %arg1, %mul3A_9 : i32
    %mul3A_11 = arith.constant 640 : i32
    %mul3A_12 = arith.muli %arg1, %mul3A_11 : i32
    "tpu.region"() ({
      %run_scoped3A = tpu.sem_alloc : memref<!tpu.dma_semaphore, #tpu.memory_space<semaphore_mem>>
      %dma_start3A = arith.constant 0 : i32
      %dma_start3A_13 = tpu.memref_slice %arg6[%arg0, %mul3A_12, %dma_start3A] : memref<2x10240x128xf32, #tpu.memory_space<hbm>> -> memref<1x640x128xf32, #tpu.memory_space<hbm>>
      %dma_start3A_14 = tpu.memref_squeeze %dma_start3A_13 : memref<1x640x128xf32, #tpu.memory_space<hbm>> -> memref<640x128xf32, #tpu.memory_space<hbm>>
      %dma_start3A_15 = arith.constant 0 : i32
      %dma_start3A_16 = tpu.memref_slice %arg10[%mul3A_10, %dma_start3A_15] : memref<10240x128xf32, #tpu.memory_space<vmem_shared>> -> memref<640x128xf32, #tpu.memory_space<vmem_shared>>
      tpu.enqueue_dma source(%dma_start3A_16 : memref<640x128xf32, #tpu.memory_space<vmem_shared>>) target(%dma_start3A_14 : memref<640x128xf32, #tpu.memory_space<hbm>>) target_semaphore(%run_scoped3A : memref<!tpu.dma_semaphore, #tpu.memory_space<semaphore_mem>>)
      %dma_wait3A = arith.constant 0 : i32
      %dma_wait3A_17 = tpu.memref_slice %arg6[%arg0, %mul3A_12, %dma_wait3A] : memref<2x10240x128xf32, #tpu.memory_space<hbm>> -> memref<1x640x128xf32, #tpu.memory_space<hbm>>
      %dma_wait3A_18 = tpu.memref_squeeze %dma_wait3A_17 : memref<1x640x128xf32, #tpu.memory_space<hbm>> -> memref<640x128xf32, #tpu.memory_space<hbm>>
      %dma_wait3A_19 = arith.constant 0 : i32
      %dma_wait3A_20 = tpu.memref_slice %arg10[%mul3A_10, %dma_wait3A_19] : memref<10240x128xf32, #tpu.memory_space<vmem_shared>> -> memref<640x128xf32, #tpu.memory_space<vmem_shared>>
      tpu.wait_dma2 semaphore(%run_scoped3A : memref<!tpu.dma_semaphore, #tpu.memory_space<semaphore_mem>>) src(%dma_wait3A_20 : memref<640x128xf32, #tpu.memory_space<vmem_shared>>) dst(%dma_wait3A_18 : memref<640x128xf32, #tpu.memory_space<hbm>>)
      tpu.yield
    }) : () -> ()
    return
  }
}

module attributes {stable_mosaic.version = 14 : i64} {
  func.func @body(%arg0: memref<10000x128xf32, #tpu.memory_space<vmem>>, %arg1: memref<128x128xf32, #tpu.memory_space<vmem>>, %arg2: memref<1x128xf32, #tpu.memory_space<vmem>>, %arg3: memref<10000x128xf32, #tpu.memory_space<vmem>>) attributes {dimension_semantics = [], scalar_prefetch = 0 : i64, scratch_operands = 0 : i64, tpu.core_type = #tpu.core_type<tc>} {
    %get3A = arith.constant 0 : index
    %get3A_0 = arith.constant 0 : index
    %get3A_1 = vector.load %arg0[%get3A, %get3A_0] : memref<10000x128xf32, #tpu.memory_space<vmem>>, vector<10000x128xf32>
    %get3A_2 = arith.constant 0 : index
    %get3A_3 = arith.constant 0 : index
    %get3A_4 = vector.load %arg1[%get3A_2, %get3A_3] : memref<128x128xf32, #tpu.memory_space<vmem>>, vector<128x128xf32>
    %dot_general3A = arith.constant dense<0.000000e+00> : vector<10000x128xf32>
    %dot_general3A_5 = tpu.matmul %get3A_1, %get3A_4, %dot_general3A {dimension_numbers = #tpu.dot_dimension_numbers<[1], [0], [0], [1], [0, 0, 1, 1], [], []>, transpose_lhs_hint = false} : vector<10000x128xf32>, vector<128x128xf32>, vector<10000x128xf32> -> vector<10000x128xf32>
    %get3A_6 = arith.constant 0 : index
    %get3A_7 = arith.constant 0 : index
    %get3A_8 = vector.load %arg2[%get3A_6, %get3A_7] : memref<1x128xf32, #tpu.memory_space<vmem>>, vector<1x128xf32>
    %add3A = vector.broadcast %get3A_8 : vector<1x128xf32> to vector<10000x128xf32>
    %add3A_9 = arith.addf %dot_general3A_5, %add3A : vector<10000x128xf32>
    %swap3A = arith.constant 0 : index
    %swap3A_10 = arith.constant 0 : index
    %swap3A_11 = vector.load %arg3[%swap3A, %swap3A_10] : memref<10000x128xf32, #tpu.memory_space<vmem>>, vector<10000x128xf32>
    tpu.vector_store %arg3[%swap3A, %swap3A_10], %add3A_9 {strides = array<i32>} : memref<10000x128xf32, #tpu.memory_space<vmem>>, vector<10000x128xf32>,
    return
  }
}

module attributes {stable_mosaic.version = 14 : i64} {
  func.func @body(%arg0: memref<10000x128xf32, #tpu.memory_space<vmem>>, %arg1: memref<2x10240x128xf32, #tpu.memory_space<vmem>>, %arg2: memref<128x128xf32, #tpu.memory_space<vmem>>, %arg3: memref<1x128xf32, #tpu.memory_space<vmem>>, %arg4: memref<128x128xf32, #tpu.memory_space<vmem>>, %arg5: memref<1x128xf32, #tpu.memory_space<vmem>>, %arg6: memref<1x128xf32, #tpu.memory_space<vmem>>, %arg7: memref<1x128xf32, #tpu.memory_space<vmem>>, %arg8: memref<10000x128xf32, #tpu.memory_space<vmem>>) attributes {dimension_semantics = [], scalar_prefetch = 0 : i64, scratch_operands = 0 : i64, tpu.core_type = #tpu.core_type<tc>} {
    %get3A = arith.constant 0 : index
    %get3A_0 = arith.constant 0 : index
    %get3A_1 = vector.load %arg0[%get3A, %get3A_0] : memref<10000x128xf32, #tpu.memory_space<vmem>>, vector<10000x128xf32>
    %get3A_2 = arith.constant 0 : index
    %get3A_3 = arith.constant 0 : index
    %get3A_4 = arith.constant 0 : index
    %get3A_5 = vector.load %arg1[%get3A_2, %get3A_3, %get3A_4] : memref<2x10240x128xf32, #tpu.memory_space<vmem>>, vector<1x10000x128xf32>
    %get3A_6 = vector.shape_cast %get3A_5 : vector<1x10000x128xf32> to vector<10000x128xf32>
    %add3A = arith.addf %get3A_1, %get3A_6 : vector<10000x128xf32>
    %get3A_7 = arith.constant 1 : index
    %get3A_8 = arith.constant 0 : index
    %get3A_9 = arith.constant 0 : index
    %get3A_10 = vector.load %arg1[%get3A_7, %get3A_8, %get3A_9] : memref<2x10240x128xf32, #tpu.memory_space<vmem>>, vector<1x10000x128xf32>
    %get3A_11 = vector.shape_cast %get3A_10 : vector<1x10000x128xf32> to vector<10000x128xf32>
    %add3A_12 = arith.addf %add3A, %get3A_11 : vector<10000x128xf32>
    %get3A_13 = arith.constant 0 : index
    %get3A_14 = arith.constant 0 : index
    %get3A_15 = vector.load %arg2[%get3A_13, %get3A_14] : memref<128x128xf32, #tpu.memory_space<vmem>>, vector<128x128xf32>
    %dot_general3A = arith.constant dense<0.000000e+00> : vector<10000x128xf32>
    %dot_general3A_16 = tpu.matmul %add3A_12, %get3A_15, %dot_general3A {dimension_numbers = #tpu.dot_dimension_numbers<[1], [0], [0], [1], [0, 0, 1, 1], [], []>, transpose_lhs_hint = false} : vector<10000x128xf32>, vector<128x128xf32>, vector<10000x128xf32> -> vector<10000x128xf32>
    %get3A_17 = arith.constant 0 : index
    %get3A_18 = arith.constant 0 : index
    %get3A_19 = vector.load %arg3[%get3A_17, %get3A_18] : memref<1x128xf32, #tpu.memory_space<vmem>>, vector<1x128xf32>
    %add3A_20 = vector.broadcast %get3A_19 : vector<1x128xf32> to vector<10000x128xf32>
    %add3A_21 = arith.addf %dot_general3A_16, %add3A_20 : vector<10000x128xf32>
    %max3A = arith.constant 0.000000e+00 : f32
    %max3A_22 = vector.broadcast %max3A : f32 to vector<10000x128xf32>
    %max3A_23 = arith.maximumf %add3A_21, %max3A_22 : vector<10000x128xf32>
    %get3A_24 = arith.constant 0 : index
    %get3A_25 = arith.constant 0 : index
    %get3A_26 = vector.load %arg4[%get3A_24, %get3A_25] : memref<128x128xf32, #tpu.memory_space<vmem>>, vector<128x128xf32>
    %dot_general3A_27 = arith.constant dense<0.000000e+00> : vector<10000x128xf32>
    %dot_general3A_28 = tpu.matmul %max3A_23, %get3A_26, %dot_general3A_27 {dimension_numbers = #tpu.dot_dimension_numbers<[1], [0], [0], [1], [0, 0, 1, 1], [], []>, transpose_lhs_hint = false} : vector<10000x128xf32>, vector<128x128xf32>, vector<10000x128xf32> -> vector<10000x128xf32>
    %get3A_29 = arith.constant 0 : index
    %get3A_30 = arith.constant 0 : index
    %get3A_31 = vector.load %arg5[%get3A_29, %get3A_30] : memref<1x128xf32, #tpu.memory_space<vmem>>, vector<1x128xf32>
    %add3A_32 = vector.broadcast %get3A_31 : vector<1x128xf32> to vector<10000x128xf32>
    %add3A_33 = arith.addf %dot_general3A_28, %add3A_32 : vector<10000x128xf32>
    %reduce_sum3A = arith.constant dense<0.000000e+00> : vector<128xf32>
    %reduce_sum3A_34 = vector.multi_reduction <add>, %add3A_33, %reduce_sum3A [0] : vector<10000x128xf32> to vector<128xf32>
    %broadcast_in_dim3A = vector.shape_cast %reduce_sum3A_34 : vector<128xf32> to vector<1x128xf32>
    %div3A = arith.constant 1.000000e+04 : f32
    %div3A_35 = vector.broadcast %div3A : f32 to vector<1x128xf32>
    %div3A_36 = arith.divf %broadcast_in_dim3A, %div3A_35 : vector<1x128xf32>
    %mul3A = arith.mulf %add3A_33, %add3A_33 : vector<10000x128xf32>
    %reduce_sum3A_37 = arith.constant dense<0.000000e+00> : vector<128xf32>
    %reduce_sum3A_38 = vector.multi_reduction <add>, %mul3A, %reduce_sum3A_37 [0] : vector<10000x128xf32> to vector<128xf32>
    %broadcast_in_dim3A_39 = vector.shape_cast %reduce_sum3A_38 : vector<128xf32> to vector<1x128xf32>
    %div3A_40 = arith.constant 1.000000e+04 : f32
    %div3A_41 = vector.broadcast %div3A_40 : f32 to vector<1x128xf32>
    %div3A_42 = arith.divf %broadcast_in_dim3A_39, %div3A_41 : vector<1x128xf32>
    %mul3A_43 = arith.mulf %div3A_36, %div3A_36 : vector<1x128xf32>
    %sub3A = arith.subf %div3A_42, %mul3A_43 : vector<1x128xf32>
    %get3A_44 = arith.constant 0 : index
    %get3A_45 = arith.constant 0 : index
    %get3A_46 = vector.load %arg6[%get3A_44, %get3A_45] : memref<1x128xf32, #tpu.memory_space<vmem>>, vector<1x128xf32>
    %sub3A_47 = vector.broadcast %div3A_36 : vector<1x128xf32> to vector<10000x128xf32>
    %sub3A_48 = arith.subf %add3A_33, %sub3A_47 : vector<10000x128xf32>
    %mul3A_49 = vector.broadcast %get3A_46 : vector<1x128xf32> to vector<10000x128xf32>
    %mul3A_50 = arith.mulf %mul3A_49, %sub3A_48 : vector<10000x128xf32>
    %add3A_51 = arith.constant 9.99999974E-6 : f32
    %add3A_52 = vector.broadcast %add3A_51 : f32 to vector<1x128xf32>
    %add3A_53 = arith.addf %sub3A, %add3A_52 : vector<1x128xf32>
    %rsqrt3A = math.rsqrt %add3A_53 : vector<1x128xf32>
    %mul3A_54 = vector.broadcast %rsqrt3A : vector<1x128xf32> to vector<10000x128xf32>
    %mul3A_55 = arith.mulf %mul3A_50, %mul3A_54 : vector<10000x128xf32>
    %get3A_56 = arith.constant 0 : index
    %get3A_57 = arith.constant 0 : index
    %get3A_58 = vector.load %arg7[%get3A_56, %get3A_57] : memref<1x128xf32, #tpu.memory_space<vmem>>, vector<1x128xf32>
    %add3A_59 = vector.broadcast %get3A_58 : vector<1x128xf32> to vector<10000x128xf32>
    %add3A_60 = arith.addf %mul3A_55, %add3A_59 : vector<10000x128xf32>
    %swap3A = arith.constant 0 : index
    %swap3A_61 = arith.constant 0 : index
    %swap3A_62 = vector.load %arg8[%swap3A, %swap3A_61] : memref<10000x128xf32, #tpu.memory_space<vmem>>, vector<10000x128xf32>
    tpu.vector_store %arg8[%swap3A, %swap3A_61], %add3A_60 {strides = array<i32>} : memref<10000x128xf32, #tpu.memory_space<vmem>>, vector<10000x128xf32>,
    return
  }
}

module attributes {stable_mosaic.version = 14 : i64} {
  func.func @body(%arg0: memref<10000x128xf32, #tpu.memory_space<vmem>>, %arg1: memref<2x10240x128xf32, #tpu.memory_space<vmem>>, %arg2: memref<128x128xf32, #tpu.memory_space<vmem>>, %arg3: memref<1x128xf32, #tpu.memory_space<vmem>>, %arg4: memref<128x128xf32, #tpu.memory_space<vmem>>, %arg5: memref<1x128xf32, #tpu.memory_space<vmem>>, %arg6: memref<10000x1xi32, #tpu.memory_space<vmem>>, %arg7: memref<128x128xf32, #tpu.memory_space<vmem>>, %arg8: memref<1x128xf32, #tpu.memory_space<vmem>>, %arg9: memref<128x1xf32, #tpu.memory_space<vmem>>, %arg10: memref<1x1xf32, #tpu.memory_space<vmem>>, %arg11: memref<32x1xf32, #tpu.memory_space<vmem>>) attributes {dimension_semantics = [], scalar_prefetch = 0 : i64, scratch_operands = 0 : i64, tpu.core_type = #tpu.core_type<tc>} {
    %get3A = arith.constant 0 : index
    %get3A_0 = arith.constant 0 : index
    %get3A_1 = vector.load %arg0[%get3A, %get3A_0] : memref<10000x128xf32, #tpu.memory_space<vmem>>, vector<10000x128xf32>
    %get3A_2 = arith.constant 0 : index
    %get3A_3 = arith.constant 0 : index
    %get3A_4 = arith.constant 0 : index
    %get3A_5 = vector.load %arg1[%get3A_2, %get3A_3, %get3A_4] : memref<2x10240x128xf32, #tpu.memory_space<vmem>>, vector<1x10000x128xf32>
    %get3A_6 = vector.shape_cast %get3A_5 : vector<1x10000x128xf32> to vector<10000x128xf32>
    %add3A = arith.addf %get3A_1, %get3A_6 : vector<10000x128xf32>
    %get3A_7 = arith.constant 1 : index
    %get3A_8 = arith.constant 0 : index
    %get3A_9 = arith.constant 0 : index
    %get3A_10 = vector.load %arg1[%get3A_7, %get3A_8, %get3A_9] : memref<2x10240x128xf32, #tpu.memory_space<vmem>>, vector<1x10000x128xf32>
    %get3A_11 = vector.shape_cast %get3A_10 : vector<1x10000x128xf32> to vector<10000x128xf32>
    %add3A_12 = arith.addf %add3A, %get3A_11 : vector<10000x128xf32>
    %get3A_13 = arith.constant 0 : index
    %get3A_14 = arith.constant 0 : index
    %get3A_15 = vector.load %arg2[%get3A_13, %get3A_14] : memref<128x128xf32, #tpu.memory_space<vmem>>, vector<128x128xf32>
    %dot_general3A = arith.constant dense<0.000000e+00> : vector<10000x128xf32>
    %dot_general3A_16 = tpu.matmul %add3A_12, %get3A_15, %dot_general3A {dimension_numbers = #tpu.dot_dimension_numbers<[1], [0], [0], [1], [0, 0, 1, 1], [], []>, transpose_lhs_hint = false} : vector<10000x128xf32>, vector<128x128xf32>, vector<10000x128xf32> -> vector<10000x128xf32>
    %get3A_17 = arith.constant 0 : index
    %get3A_18 = arith.constant 0 : index
    %get3A_19 = vector.load %arg3[%get3A_17, %get3A_18] : memref<1x128xf32, #tpu.memory_space<vmem>>, vector<1x128xf32>
    %add3A_20 = vector.broadcast %get3A_19 : vector<1x128xf32> to vector<10000x128xf32>
    %add3A_21 = arith.addf %dot_general3A_16, %add3A_20 : vector<10000x128xf32>
    %max3A = arith.constant 0.000000e+00 : f32
    %max3A_22 = vector.broadcast %max3A : f32 to vector<10000x128xf32>
    %max3A_23 = arith.maximumf %add3A_21, %max3A_22 : vector<10000x128xf32>
    %get3A_24 = arith.constant 0 : index
    %get3A_25 = arith.constant 0 : index
    %get3A_26 = vector.load %arg4[%get3A_24, %get3A_25] : memref<128x128xf32, #tpu.memory_space<vmem>>, vector<128x128xf32>
    %dot_general3A_27 = arith.constant dense<0.000000e+00> : vector<10000x128xf32>
    %dot_general3A_28 = tpu.matmul %max3A_23, %get3A_26, %dot_general3A_27 {dimension_numbers = #tpu.dot_dimension_numbers<[1], [0], [0], [1], [0, 0, 1, 1], [], []>, transpose_lhs_hint = false} : vector<10000x128xf32>, vector<128x128xf32>, vector<10000x128xf32> -> vector<10000x128xf32>
    %get3A_29 = arith.constant 0 : index
    %get3A_30 = arith.constant 0 : index
    %get3A_31 = vector.load %arg5[%get3A_29, %get3A_30] : memref<1x128xf32, #tpu.memory_space<vmem>>, vector<1x128xf32>
    %add3A_32 = vector.broadcast %get3A_31 : vector<1x128xf32> to vector<10000x128xf32>
    %add3A_33 = arith.addf %dot_general3A_28, %add3A_32 : vector<10000x128xf32>
    %get3A_34 = arith.constant 0 : index
    %get3A_35 = arith.constant 0 : index
    %get3A_36 = vector.load %arg6[%get3A_34, %get3A_35] : memref<10000x1xi32, #tpu.memory_space<vmem>>, vector<10000x1xi32>
    %iota3A = tpu.iota {dimensions = array<i32: 1>} : vector<1x32xi32>
    %eq3A = vector.broadcast %get3A_36 : vector<10000x1xi32> to vector<10000x32xi32>
    %eq3A_37 = vector.broadcast %iota3A : vector<1x32xi32> to vector<10000x32xi32>
    %eq3A_38 = arith.cmpi eq, %eq3A, %eq3A_37 : vector<10000x32xi32>
    %convert_element_type3A = arith.extui %eq3A_38 : vector<10000x32xi1> to vector<10000x32xi32>
    %convert_element_type3A_39 = arith.sitofp %convert_element_type3A : vector<10000x32xi32> to vector<10000x32xf32>
    %dot_general3A_40 = arith.constant dense<0.000000e+00> : vector<32x128xf32>
    %dot_general3A_41 = tpu.matmul %convert_element_type3A_39, %add3A_33, %dot_general3A_40 {dimension_numbers = #tpu.dot_dimension_numbers<[0], [0], [1], [1], [0, 1, 1, 1], [], []>, transpose_lhs_hint = false} : vector<10000x32xf32>, vector<10000x128xf32>, vector<32x128xf32> -> vector<32x128xf32>
    %reduce_sum3A = arith.constant dense<0.000000e+00> : vector<32xf32>
    %reduce_sum3A_42 = vector.multi_reduction <add>, %convert_element_type3A_39, %reduce_sum3A [0] : vector<10000x32xf32> to vector<32xf32>
    %reshape3A = vector.shape_cast %reduce_sum3A_42 : vector<32xf32> to vector<32x1xf32>
    %max3A_43 = arith.constant 1.000000e+00 : f32
    %max3A_44 = vector.broadcast %max3A_43 : f32 to vector<32x1xf32>
    %max3A_45 = arith.maximumf %reshape3A, %max3A_44 : vector<32x1xf32>
    %div3A = vector.broadcast %max3A_45 : vector<32x1xf32> to vector<32x128xf32>
    %div3A_46 = arith.divf %dot_general3A_41, %div3A : vector<32x128xf32>
    %get3A_47 = arith.constant 0 : index
    %get3A_48 = arith.constant 0 : index
    %get3A_49 = vector.load %arg7[%get3A_47, %get3A_48] : memref<128x128xf32, #tpu.memory_space<vmem>>, vector<128x128xf32>
    %dot_general3A_50 = arith.constant dense<0.000000e+00> : vector<32x128xf32>
    %dot_general3A_51 = tpu.matmul %div3A_46, %get3A_49, %dot_general3A_50 {dimension_numbers = #tpu.dot_dimension_numbers<[1], [0], [0], [1], [0, 0, 1, 1], [], []>, transpose_lhs_hint = false} : vector<32x128xf32>, vector<128x128xf32>, vector<32x128xf32> -> vector<32x128xf32>
    %get3A_52 = arith.constant 0 : index
    %get3A_53 = arith.constant 0 : index
    %get3A_54 = vector.load %arg8[%get3A_52, %get3A_53] : memref<1x128xf32, #tpu.memory_space<vmem>>, vector<1x128xf32>
    %add3A_55 = vector.broadcast %get3A_54 : vector<1x128xf32> to vector<32x128xf32>
    %add3A_56 = arith.addf %dot_general3A_51, %add3A_55 : vector<32x128xf32>
    %max3A_57 = arith.constant 0.000000e+00 : f32
    %max3A_58 = vector.broadcast %max3A_57 : f32 to vector<32x128xf32>
    %max3A_59 = arith.maximumf %add3A_56, %max3A_58 : vector<32x128xf32>
    %get3A_60 = arith.constant 0 : index
    %get3A_61 = arith.constant 0 : index
    %get3A_62 = vector.load %arg9[%get3A_60, %get3A_61] : memref<128x1xf32, #tpu.memory_space<vmem>>, vector<128x1xf32>
    %dot_general3A_63 = arith.constant dense<0.000000e+00> : vector<32x1xf32>
    %dot_general3A_64 = tpu.matmul %max3A_59, %get3A_62, %dot_general3A_63 {dimension_numbers = #tpu.dot_dimension_numbers<[1], [0], [0], [1], [0, 0, 1, 1], [], []>, transpose_lhs_hint = false} : vector<32x128xf32>, vector<128x1xf32>, vector<32x1xf32> -> vector<32x1xf32>
    %get3A_65 = arith.constant 0 : index
    %get3A_66 = arith.constant 0 : index
    %get3A_67 = vector.load %arg10[%get3A_65, %get3A_66] : memref<1x1xf32, #tpu.memory_space<vmem>>, vector<1x1xf32>
    %add3A_68 = vector.broadcast %get3A_67 : vector<1x1xf32> to vector<32x1xf32>
    %add3A_69 = arith.addf %dot_general3A_64, %add3A_68 : vector<32x1xf32>
    %swap3A = arith.constant 0 : index
    %swap3A_70 = arith.constant 0 : index
    %swap3A_71 = vector.load %arg11[%swap3A, %swap3A_70] : memref<32x1xf32, #tpu.memory_space<vmem>>, vector<32x1xf32>
    tpu.vector_store %arg11[%swap3A, %swap3A_70], %add3A_69 {strides = array<i32>} : memref<32x1xf32, #tpu.memory_space<vmem>>, vector<32x1xf32>,
    return
  }
}

</mosaic_0001>

<sc_bundles>
// kernel: kernel.12.cloned.1.call-start
scs
__scs_entry_jumppad:
0x0: {  	(pc) =	sbr.rel $0x88, $3  }
0x1: {  	(tag) =	ssettag $0x0;
	lr =	simm.s32 $0x1  }
0x2: {  	[smem:$0x3F92] =	sst lr;
	_ =	strace $0xD0000000  }
0x3: {  	_ = 	snop  }
0x4: {  	_ = 	snop  }
0x5: {  	_ = 	snop  }
0x6: {  	_ = 	snop  }
0x7: {  	_ = 	snop  }
__scs_overlays_trampoline_lowered:
0x8: {  	[smem:$0x3FA1] =	sst s0  }
0x9: {  	[smem:$0x3FA2] =	sst s1  }
0xa: {  	[smem:$0x3FA3] =	sst s2  }
0xb: {  	[smem:$0x3FA4] =	sst s3  }
0xc: {  	[smem:$0x3FA5] =	sst s4  }
0xd: {  	[smem:$0x3FA6] =	sst s5  }
0xe: {  	[smem:$0x3FA7] =	sst s6  }
0xf: {  	[smem:$0x3FA8] =	sst s7  }
0x10: {  	[smem:$0x3FA9] =	sst s8  }
0x11: {  	[smem:$0x3FAA] =	sst s9;
	s0 =	simm.s32 @!p0 $0x0  }
0x12: {  	s1 =	sld [smem:$0x3F90];
	s0 =	simm.s32 @p0 $0x1  }
0x13: {  	[smem:$0x3FAB] =	sst s0;
	s0 =	simm.s32 @!p1 $0x0  }
0x14: {  	s2 =	sld [smem:$0x3F8F];
	s0 =	simm.s32 @p1 $0x1  }
0x15: {  	[smem:$0x3FAC] =	sst s0;
	s0 =	simm.s32 @!p2 $0x0  }
0x16: {  	s3 =	sld [smem:$0x3FDB];
	s0 =	simm.s32 @p2 $0x1  }
0x17: {  	s4 =	simm.s32 $0x1BF5;
	[smem:$0x3FAE] =	sst s0  }
0x18: {  	s0 =	sld [smem:$0x3F91];
	_ =	swait.ge [sflag:s4], $0x0  }
0x19: {  	s7 =	sld [smem:$0x3F92]  }
0x1a: {  	s8 =	sadd.s32 $0xFFFFE003, lr  }
0x1b: {  	s9 =	sadd.s32 $0xFFFFFEF7, lr;
	s5 =	simm.s32 $0xFFFFFFFF;
	p2 =	slt.u32 s8, $0xFFFFF086  }
0x1c: {  	p1 =	slt.u32 s9, $0xF7A;
	s5 =	simm.s32 @!p2 $0x0  }
0x1d: {  	s5 =	simm.s32 @p1 $0x1;
	p0 =	seq.s32 s7, s2  }
0x1e: {  	s7 =	smul.u32 @!p0 $0xF7A, s2;
	p2 =	seq.s32 @!p0 s5, $0x0  }
0x1f: {  	s9 =	smul.u32 $0xF7A, s1;
	s8 =	simm.s32 @!p0 $0x1BF5;
	p2 =	por !p2, p0  }
0x20: {  	[sflag:s8] =	ssyncset.s32 @!p0 $0xFFFFF086;
	s6 =	sadd.s32 @!p0 s3, s7;
	s7 =	simm.s32 @!p0 $0x108  }
0x21: {  	s3 =	sadd.s32 s3, s9;
	s6 =	sadd.s32 @!p0 $0x88, s6;
	s7 =	simm.s32 @p2 $0x1082  }
0x22: {  	[simem:s7], [sflag:s8] =	dma.local @!p0 [hbm:s6], $0xF7A  }
0x23: {  	s9 =	sor.u32 $0xD0000000, s2;
	s6 =	simm.s32 $0x108;
	_ =	swait.ge @!p0 [sflag:s8], $0x0  }
0x24: {  	s3 =	sadd.s32 $0x88, s3;
	s6 =	simm.s32 @!p1 $0x1082;
	[sflag:s4] =	ssyncset.s32 $0xFFFFF086  }
0x25: {  	[simem:s6], [sflag:s4] =	dma.local [hbm:s3], $0xF7A  }
0x26: {  	[smem:$0x3F92] =	sst s1;
	(tag) =	ssettag s2;
	_ =	strace s9  }
0x27: {  	s1 =	sld [smem:$0x3FA2]  }
0x28: {  	s2 =	sld [smem:$0x3FA3]  }
0x29: {  	s4 =	sld [smem:$0x3FA5]  }
0x2a: {  	p0 =	seq.s32 s5, $0x0;
	s5 =	sld [smem:$0x3FA6]  }
0x2b: {  	s6 =	sld [smem:$0x3FA7]  }
0x2c: {  	s7 =	sld [smem:$0x3FA8]  }
0x2d: {  	s3 =	simm.s32 $0x108;
	s8 =	sld [smem:$0x3FA9]  }
0x2e: {  	s3 =	simm.s32 @!p0 $0x1082;
	s9 =	sld [smem:$0x3FAA]  }
0x2f: {  	lr =	sadd.s32 s0, s3;
	s0 =	sld [smem:$0x3FA1]  }
0x30: {  	s3 =	sld [smem:$0x3FA4]  }
0x31: {  	[smem:$0x3FAD] =	sst s10  }
0x32: {  	s10 =	sld [smem:$0x3FAB];
	_ =	sdelay $0x3  }
0x33: {  	p0 =	seq.s32 s10, $0x1;
	s10 =	sld [smem:$0x3FAD];
	_ =	sdelay $0x3  }
0x34: {  	[smem:$0x3FAD] =	sst s10  }
0x35: {  	s10 =	sld [smem:$0x3FAC];
	_ =	sdelay $0x3  }
0x36: {  	p1 =	seq.s32 s10, $0x1;
	s10 =	sld [smem:$0x3FAD];
	_ =	sdelay $0x3  }
0x37: {  	[smem:$0x3FAD] =	sst s10  }
0x38: {  	s10 =	sld [smem:$0x3FAE]  }
0x39: {  	_ = 	snop;
	(pc) =	sbr.ind lr, $3  }
0x3a: {  	_ = 	snop  }
0x3b: {  	_ = 	snop  }
0x3c: {  	p2 =	seq.s32 s10, $0x1;
	s10 =	sld [smem:$0x3FAD]  }
0x3d: {  	_ =	shalt  }
0x3e: {  	_ =	shalt  }
0x3f: {  	_ =	shalt  }
0x40: {  	_ =	shalt  }
0x41: {  	_ =	shalt  }
0x42: {  	_ =	shalt  }
0x43: {  	_ =	shalt  }
0x44: {  	_ =	shalt  }
0x45: {  	_ =	shalt  }
0x46: {  	_ =	shalt  }
0x47: {  	_ =	shalt  }
0x48: {  	_ =	shalt  }
0x49: {  	_ =	shalt  }
0x4a: {  	_ =	shalt  }
0x4b: {  	_ =	shalt  }
0x4c: {  	_ =	shalt  }
0x4d: {  	_ =	shalt  }
0x4e: {  	_ =	shalt  }
0x4f: {  	_ =	shalt  }
0x50: {  	_ =	shalt  }
0x51: {  	_ =	shalt  }
0x52: {  	_ =	shalt  }
0x53: {  	_ =	shalt  }
0x54: {  	_ =	shalt  }
0x55: {  	_ =	shalt  }
0x56: {  	_ =	shalt  }
0x57: {  	_ =	shalt  }
0x58: {  	_ =	shalt  }
0x59: {  	_ =	shalt  }
0x5a: {  	_ =	shalt  }
0x5b: {  	_ =	shalt  }
0x5c: {  	_ =	shalt  }
0x5d: {  	_ =	shalt  }
0x5e: {  	_ =	shalt  }
0x5f: {  	_ =	shalt  }
0x60: {  	_ =	shalt  }
0x61: {  	_ =	shalt  }
0x62: {  	_ =	shalt  }
0x63: {  	_ =	shalt  }
0x64: {  	_ =	shalt  }
0x65: {  	_ =	shalt  }
0x66: {  	_ =	shalt  }
0x67: {  	_ =	shalt  }
0x68: {  	_ =	shalt  }
0x69: {  	_ =	shalt  }
0x6a: {  	_ =	shalt  }
0x6b: {  	_ =	shalt  }
0x6c: {  	_ =	shalt  }
0x6d: {  	_ =	shalt  }
0x6e: {  	_ =	shalt  }
0x6f: {  	_ =	shalt  }
0x70: {  	_ =	shalt  }
0x71: {  	_ =	shalt  }
0x72: {  	_ =	shalt  }
0x73: {  	_ =	shalt  }
0x74: {  	_ =	shalt  }
0x75: {  	_ =	shalt  }
0x76: {  	_ =	shalt  }
0x77: {  	_ =	shalt  }
0x78: {  	_ =	shalt  }
0x79: {  	_ =	shalt  }
0x7a: {  	_ =	shalt  }
0x7b: {  	_ =	shalt  }
0x7c: {  	_ =	shalt  }
0x7d: {  	_ =	shalt  }
0x7e: {  	_ =	shalt  }
0x7f: {  	_ =	shalt  }
0x80: {  	_ =	shalt  }
0x81: {  	_ =	shalt  }
0x82: {  	_ =	shalt  }
0x83: {  	_ =	shalt  }
0x84: {  	_ =	shalt  }
0x85: {  	_ =	shalt  }
0x86: {  	_ =	shalt  }
0x87: {  	_ =	shalt  }
.Lfunc_end0:
.L_simem_size_0:
called_computation.1_lowered:
.L_overlay_start_0:
0x88: {  	s2 =	sld [smem:$0x3FD9]  }
0x89: {  	s3 =	sld [smem:$0x3FFE];
	_ =	sdelay $0x1  }
0x8a: {  	s1 =	srdreg.scid  }
0x8b: {  	s0 =	sand.u32 $0x1, s1  }
0x8c: {  	s16 =	sshll.u32 s0, $0xA;
	s2 =	sadd.s32 s3, s2  }
0x8d: {  	s2 =	sadd.s32 s2, s16  }
0x8e: {  	[smem:$0x3FB9] =	sst s2  }
0x8f: {  	_ = 	snop  }
0x90: {  	(tm) =	ssettm $0x1  }
0x91: {  	s17 =	sld [smem:$0x3FFB];
	_ =	sdelay $0x3  }
0x92: {  	_ =	strace s17  }
0x93: {  	s2 =	sld [smem:$0x3FFC];
	_ =	sdelay $0x3  }
0x94: {  	_ =	strace s2  }
0x95: {  	s2 =	sld [smem:$0x3FFD];
	_ =	sdelay $0x3  }
0x96: {  	_ =	strace s2  }
0x97: {  	_ =	strace $0x8FFFFFFF  }
0x98: {  	s18 =	sld [smem:$0x3FDB];
	_ =	sdelay $0x1  }
0x99: {  	s19 =	simm.s32 $_scs_section_size  }
0x9a: {  	s4 =	simm.s32 $_size__tile_overlayer_lowered;
	s5 =	simm.s32 $_tile_overlayer_lowered  }
0x9b: {  	s22 =	simm.s32 $0x1BFF;
	s21 =	sshll.u32 s5, $0x1;
	s2 =	sadd.s32 s19, s18  }
0x9c: {  	s6 =	simm.s32 $0x0;
	s20 =	sshll.u32 s4, $0x1;
	s4 =	sadd.s32 s21, s2  }
0x9d: {  	[timem:s6], [sflag:s22] =	dma.local [hbm:s4], s20  }
0x9e: {  	_ =	swait.ge [sflag:s22], s20  }
0x9f: {  	s3 =	ssub.s32 $0x0, s20;
	[sflag:s22] =	ssyncset.done $0x0  }
0xa0: {  	[sflag:s22] =	ssyncadd.s32 s3;
	_ =	sdelay $0x1  }
0xa1: {  	s23 =	simm.s32 $0x1B8B  }
0xa2: {  	_ =	swait.ge [sflag:s23], $0x1  }
0xa3: {  	[sflag:s23] =	ssyncset.done $0x0  }
0xa4: {  	s25 =	simm.s32 $0x1B8E;
	s24 =	sld [smem:$0x3FFE];
	[sflag:s23] =	ssyncadd.s32 $0xFFFFFFFF  }
0xa5: {  	s26 =	simm.s32 $execute0_lowered;
	[smem:$0x3FD2] =	sst s25  }
0xa6: {  	s4 =	sshll.u32 s26, $0x1;
	_ =	strace $0x80000049;
	[dreg:$0x1] =	wrdreg $0xFFFFFFFF  }
0xa7: {  	s28 =	simm.s32 $_size_execute0_lowered;
	s2 =	sadd.s32 s2, s4;
	[dreg:$0x0] =	wrdreg $0x0  }
0xa8: {  	s4 =	sshll.u32 s28, $0x1;
	[dreg:$0x2] =	wrdreg s2  }
0xa9: {  	[dreg:$0x3] =	wrdreg s4  }
0xaa: {  	[dreg:$0x4] =	wrdreg $0xC0  }
0xab: {  	_ =	task [dreg:s6], $0x5FFFF  }
0xac: {  	[dreg:$0x1] =	wrdreg $0xFFFFFFFF  }
0xad: {  	[dreg:$0x0] =	wrdreg $0x60  }
0xae: {  	[dreg:$0x2] =	wrdreg s24  }
0xaf: {  	[dreg:$0x3] =	wrdreg $0x9C000  }
0xb0: {  	[dreg:$0x4] =	wrdreg $0x9  }
0xb1: {  	_ =	task.clear_ibuf [dreg:s6], $0x5FFFF;
	_ =	strace $0x90000049  }
0xb2: {  	s29 =	simm.s32 $0x9;
	_ =	strace $0x8000004B  }
0xb3: {  	_ =	swait.ge [sflag:s29], $0x1  }
0xb4: {  	[sflag:s29] =	ssyncadd.s32 $0xFFFFFFFF  }
0xb5: {  	_ =	strace $0x9000004B  }
0xb6: {  	_ =	sfence  }
0xb7: {  	s30 =	sld [smem:$0x0];
	_ =	sdelay $0x2  }
0xb8: {  	s31 =	sshll.u32 s1, $0xD;
	s1 =	sshrl.u32 s1, $0x2  }
0xb9: {  	s3 =	sand.u32 $0x4000, s31;
	s1 =	sadd.s32 s1, s30  }
0xba: {  	s0 =	sor.u32 s3, s0;
	s1 =	sshll.u32 s1, $0x11  }
0xbb: {  	s0 =	sor.u32 s1, s0  }
0xbc: {  	s0 =	sadd.s32 $0x8F2B, s0  }
0xbd: {  	[sflag:s0] =	ssyncadd.remote.s32 $0x1  }
0xbe: {  	_ =	sfence.sel $0xFFFF  }
0xbf: {  	[dreg:$0x0] =	wrdreg $0xFFFFFFFF;
	(pc) =	sbr.abs _section_cstart, $3  }
0xc0: {  	[dreg:$0x1] =	wrdreg $0xFFFFFFFF  }
0xc1: {  	_ =	task.clear_ibuf [dreg:s6], $0x2FFFF;
	_ =	strace $0x9FFFFFFF  }
0xc2: {  	(tm) =	ssettm $0x7FFFFFFF  }
0xc3: {  	_ =	shalt  }
tec
execute0_lowered:
.L_overlay_start_1:
0x0: {  	(tag) =	ssettag $0x1  }
0x1: {  	s7 =	rddreg [dreg:$0x0]  }
0x2: {  	s0 =	srdreg.scid;
	s2 =	rddreg [dreg:$0x1]  }
0x3: {  	s3 =	simm.s32 $0x0;
	s14 =	simm.s32 $0x64;
	s15 =	simm.s32 $0x6800  }
0x4: {  	s16 =	simm.s32 $0x1;
	s6 =	sand.u32 $0x1, s0;
	s0 =	stileid.u32  }
0x5: {  	s17 =	simm.s32 $0x0;
	[smem:$0x7FF] =	sst s3;
	s8 =	smul.u32 $0x140000, s6  }
0x6: {  	s4 =	sadd.s32 $0x1DC00, s7;
	s1 =	sshll.u32 s6, $0x4;
	s9 =	smul.u32 $0x14000, s0  }
0x7: {  	s28 =	smul.u32 $0x50000, s0;
	s6 =	ssub.s32 $0x2, s6;
	s1 =	sor.u32 s0, s1  }
0x8: {  	s31 =	sshll.u32 s0, $0x6;
	s29 =	sshrl.u32 s6, $0x1;
	s5 =	smul.u32 $0x680, s1  }
0x9: {  	s1 =	rddreg [dreg:$0x2];
	_ =	strace $0x8000004A;
	s8 =	sadd.s32 s9, s8  }
0xa: {  	s30 =	sshrl.u32 s28, $0x2;
	s12 =	ssub.s32 s6, s29;
	s6 =	sor.u32 $0x1C02, s31  }
0xb: {  	s8 =	sshrl.u32 s8, $0x3;
	s13 =	sadd.s32 s30, s2;
	s10 =	sadd.s32 s5, s7  }
0xc: {  	s5 =	sadd.s32 $0x44E00, s7;
	s11 =	sadd.s32 s8, s7;
	s7 =	sadd.s32 $0x3C00, s10  }
0xd: {  	s8 =	sadd.s32 $0x10C00, s10;
	s9 =	sadd.s32 $0x47600, s11;
	s10 =	smax.u32 s12, $0x1  }
0xe: {  	s11 =	sshrl.u32 s13, $0x3;
	s12 =	simm.s32 $0x2;
	s13 =	simm.s32 $0x3400  }
.LBB2_1:
0xf: {  	[spmem:s11], [sflag:s6] =	dma.local [hbm:s5], $0x2800  }
0x10: {  	_ =	swait.ge [sflag:s12], $0x2800  }
0x11: {  	[sflag:s12] =	ssyncset.done $0x0  }
0x12: {  	[sflag:s12] =	ssyncadd.s32 $0xFFFFD800  }
0x13: {  	[tilespmem:s3], [sflag:$0x2] =	stream.linear.gather [hbm4b:s7+s3], $0x3200, $0x38;
	[tilespmem:$0x1DC00] =	vst v63  }
0x14: {  	_ =	swait.ge [sflag:s12], $0x3200  }
0x15: {  	[sflag:s12] =	ssyncset.done $0x0  }
0x16: {  	[sflag:s12] =	ssyncadd.s32 $0xFFFFCE00  }
0x17: {  	[tilespmem:s13], [sflag:$0x2] =	stream.linear.gather [hbm4b:s8+s3], $0x3200, $0x38;
	[tilespmem:$0x1DC00] =	vst v63  }
0x18: {  	_ =	swait.ge [sflag:s12], $0x3200  }
0x19: {  	[sflag:s12] =	ssyncset.done $0x0  }
0x1a: {  	[sflag:s12] =	ssyncadd.s32 $0xFFFFCE00  }
0x1b: {  	s18 =	simm.s32 $0x0;
	[bflag:$0x0] =	sbarrier.arrive $0xFFFF  }
0x1c: {  	[tilespmem:s15], [sflag:$0x1] =	stream.indirect.gather [hbm4b:s4+s14], $0x80, s18, s14, $0xb8;
	[tilespmem:$0x1DC00] =	vst v63  }
0x1d: {  	_ =	swait.ge [sflag:s16], $0x3200  }
0x1e: {  	[sflag:s16] =	ssyncset.done $0x0  }
0x1f: {  	s31 =	simm.s32 $0x3400;
	[sflag:s16] =	ssyncadd.s32 $0xFFFFCE00  }
0x20: {  	[spmem:s2] =	stream.indirect.scatter.add.f32 [tilespmem:s15], [sflag:$0x2], $0x80, s31, s14, $0xb8;
	[tilespmem:$0x1DC00] =	vst v63  }
0x21: {  	_ =	swait.ge [sflag:s12], $0x3200  }
0x22: {  	s19 =	simm.s32 $0x400;
	s18 =	simm.s32 $0x200;
	[sflag:s12] =	ssyncset.done $0x0  }
.LBB2_2:
0x23: {  	s20 =	sshra.s32 s18, $0x2  }
0x24: {  	[sflag:s12] =	ssyncadd.s32 $0xFFFFCE00;
	s18 =	smov.u32 s19;
	s21 =	sadd.s32 $0x200, s19  }
0x25: {  	[tilespmem:s15], [sflag:$0x1] =	stream.indirect.gather [hbm4b:s4+s14], $0x80, s20, s14, $0xb8;
	[tilespmem:$0x1DC00] =	vst v63  }
0x26: {  	p0 =	sne.s32 s19, $0xC600;
	_ =	swait.ge [sflag:s16], $0x3200  }
.Ltmp0:
0x27: {  	[sflag:s16] =	ssyncset.done $0x0;
	(pc) =	sbr.rel @p0 .LBB2_2-.Ltmp0, $4  }
0x28: {  	s19 =	sadd.s32 $0x3400, s20;
	[sflag:s16] =	ssyncadd.s32 $0xFFFFCE00  }
0x29: {  	[spmem:s2] =	stream.indirect.scatter.add.f32 [tilespmem:s15], [sflag:$0x2], $0x80, s19, s14, $0xb8;
	[tilespmem:$0x1DC00] =	vst v63  }
0x2a: {  	_ =	swait.ge [sflag:s12], $0x3200  }
0x2b: {  	s19 =	smov.u32 s21;
	[sflag:s12] =	ssyncset.done $0x0  }
0x2c: {  	s18 =	sshra.s32 s18, $0x2;
	[sflag:s12] =	ssyncadd.s32 $0xFFFFCE00  }
0x2d: {  	[tilespmem:s15], [sflag:$0x1] =	stream.indirect.gather [hbm4b:s4+s14], $0x80, s18, s14, $0xb8;
	[tilespmem:$0x1DC00] =	vst v63  }
0x2e: {  	_ =	swait.ge [sflag:s16], $0x3200  }
0x2f: {  	[sflag:s16] =	ssyncset.done $0x0  }
0x30: {  	s18 =	sadd.s32 $0x3400, s18;
	[sflag:s16] =	ssyncadd.s32 $0xFFFFCE00  }
0x31: {  	[spmem:s2] =	stream.indirect.scatter.add.f32 [tilespmem:s15], [sflag:$0x2], $0x80, s18, s14, $0xb8;
	[tilespmem:$0x1DC00] =	vst v63  }
0x32: {  	_ =	swait.ge [sflag:s12], $0x3200  }
0x33: {  	s17 =	sadd.s32 $0x1, s17;
	[sflag:s12] =	ssyncset.done $0x0  }
0x34: {  	p0 =	sne.s32 s17, s10;
	[sflag:s12] =	ssyncadd.s32 $0xFFFFCE00  }
.Ltmp1:
0x35: {  	[bflag:$0x0] =	sbarrier.arrive $0xFFFF;
	(pc) =	sbr.rel @p0 .LBB2_1-.Ltmp1, $4  }
0x36: {  	[hbm:s9], [sflag:s6] =	dma.local [spmem:s11], $0x2800  }
0x37: {  	_ =	swait.ge [sflag:s12], $0x2800  }
0x38: {  	[sflag:s12] =	ssyncset.done $0x0  }
0x39: {  	[sflag:s12] =	ssyncadd.s32 $0xFFFFD800  }
0x3a: {  	_ =	sfence.sel $0x180000  }
0x3b: {  	[bflag:$0x0] =	sbarrier.arrive $0xFFFF  }
0x3c: {  	p0 =	sne.s32 s0, $0x0;
	_ =	strace $0x9000004A  }
0x3d: {  	s0 =	sadd.s32 @!p0 $0x100000, s1;
	[bflag:$0x2] =	sbarrier.arrive $0xFFFF  }
0x3e: {  	[sflag:s0] =	ssyncadd.tile.s32 @!p0 $0x1;
	_ =	shalt  }
.Lfunc_end2:
_tile_overlayer_lowered:
.L_overlay_start_2:
0x3f: {  	(tag) =	ssettag $0x2  }
0x40: {  	s0 =	rddreg [dreg:$0x0];
	s2 =	stileid.u32  }
0x41: {  	s1 =	rddreg [dreg:$0x1];
	p0 =	sne.s32 s2, $0x0  }
0x42: {  	s3 =	rddreg [dreg:$0x2];
	[bflag:$0x3] =	sbarrier.arrive $0xFFFF;
	s2 =	simm.s32 @!p0 $0x1C02  }
0x43: {  	[timem:s3], [sflag:s2] =	dma.local @!p0 [hbm:s0], s1  }
0x44: {  	s0 =	simm.s32 @!p0 $0x2  }
0x45: {  	_ =	swait.ge @!p0 [sflag:s0], s1  }
0x46: {  	s1 =	ssub.s32 @!p0 $0x0, s1;
	[sflag:s0] =	ssyncset.done @!p0 $0x0  }
0x47: {  	[sflag:s0] =	ssyncadd.s32 @!p0 s1  }
0x48: {  	[bflag:$0x3] =	sbarrier.arrive $0xFFFF  }
0x49: {  	_ =	shalt  }

// kernel: kernel.15.cloned.1.call-start
scs
__scs_entry_jumppad:
0x0: {  	(pc) =	sbr.rel $0x88, $3  }
0x1: {  	(tag) =	ssettag $0x0;
	lr =	simm.s32 $0x1  }
0x2: {  	[smem:$0x3F92] =	sst lr;
	_ =	strace $0xD0000000  }
0x3: {  	_ = 	snop  }
0x4: {  	_ = 	snop  }
0x5: {  	_ = 	snop  }
0x6: {  	_ = 	snop  }
0x7: {  	_ = 	snop  }
__scs_overlays_trampoline_lowered:
0x8: {  	[smem:$0x3FA1] =	sst s0  }
0x9: {  	[smem:$0x3FA2] =	sst s1  }
0xa: {  	[smem:$0x3FA3] =	sst s2  }
0xb: {  	[smem:$0x3FA4] =	sst s3  }
0xc: {  	[smem:$0x3FA5] =	sst s4  }
0xd: {  	[smem:$0x3FA6] =	sst s5  }
0xe: {  	[smem:$0x3FA7] =	sst s6  }
0xf: {  	[smem:$0x3FA8] =	sst s7  }
0x10: {  	[smem:$0x3FA9] =	sst s8  }
0x11: {  	[smem:$0x3FAA] =	sst s9;
	s0 =	simm.s32 @!p0 $0x0  }
0x12: {  	s1 =	sld [smem:$0x3F90];
	s0 =	simm.s32 @p0 $0x1  }
0x13: {  	[smem:$0x3FAB] =	sst s0;
	s0 =	simm.s32 @!p1 $0x0  }
0x14: {  	s2 =	sld [smem:$0x3F8F];
	s0 =	simm.s32 @p1 $0x1  }
0x15: {  	[smem:$0x3FAC] =	sst s0;
	s0 =	simm.s32 @!p2 $0x0  }
0x16: {  	s3 =	sld [smem:$0x3FDB];
	s0 =	simm.s32 @p2 $0x1  }
0x17: {  	s4 =	simm.s32 $0x1BF5;
	[smem:$0x3FAE] =	sst s0  }
0x18: {  	s0 =	sld [smem:$0x3F91];
	_ =	swait.ge [sflag:s4], $0x0  }
0x19: {  	s7 =	sld [smem:$0x3F92]  }
0x1a: {  	s8 =	sadd.s32 $0xFFFFE003, lr  }
0x1b: {  	s9 =	sadd.s32 $0xFFFFFEF7, lr;
	s5 =	simm.s32 $0xFFFFFFFF;
	p2 =	slt.u32 s8, $0xFFFFF086  }
0x1c: {  	p1 =	slt.u32 s9, $0xF7A;
	s5 =	simm.s32 @!p2 $0x0  }
0x1d: {  	s5 =	simm.s32 @p1 $0x1;
	p0 =	seq.s32 s7, s2  }
0x1e: {  	s7 =	smul.u32 @!p0 $0xF7A, s2;
	p2 =	seq.s32 @!p0 s5, $0x0  }
0x1f: {  	s9 =	smul.u32 $0xF7A, s1;
	s8 =	simm.s32 @!p0 $0x1BF5;
	p2 =	por !p2, p0  }
0x20: {  	[sflag:s8] =	ssyncset.s32 @!p0 $0xFFFFF086;
	s6 =	sadd.s32 @!p0 s3, s7;
	s7 =	simm.s32 @!p0 $0x108  }
0x21: {  	s3 =	sadd.s32 s3, s9;
	s6 =	sadd.s32 @!p0 $0x88, s6;
	s7 =	simm.s32 @p2 $0x1082  }
0x22: {  	[simem:s7], [sflag:s8] =	dma.local @!p0 [hbm:s6], $0xF7A  }
0x23: {  	s9 =	sor.u32 $0xD0000000, s2;
	s6 =	simm.s32 $0x108;
	_ =	swait.ge @!p0 [sflag:s8], $0x0  }
0x24: {  	s3 =	sadd.s32 $0x88, s3;
	s6 =	simm.s32 @!p1 $0x1082;
	[sflag:s4] =	ssyncset.s32 $0xFFFFF086  }
0x25: {  	[simem:s6], [sflag:s4] =	dma.local [hbm:s3], $0xF7A  }
0x26: {  	[smem:$0x3F92] =	sst s1;
	(tag) =	ssettag s2;
	_ =	strace s9  }
0x27: {  	s1 =	sld [smem:$0x3FA2]  }
0x28: {  	s2 =	sld [smem:$0x3FA3]  }
0x29: {  	s4 =	sld [smem:$0x3FA5]  }
0x2a: {  	p0 =	seq.s32 s5, $0x0;
	s5 =	sld [smem:$0x3FA6]  }
0x2b: {  	s6 =	sld [smem:$0x3FA7]  }
0x2c: {  	s7 =	sld [smem:$0x3FA8]  }
0x2d: {  	s3 =	simm.s32 $0x108;
	s8 =	sld [smem:$0x3FA9]  }
0x2e: {  	s3 =	simm.s32 @!p0 $0x1082;
	s9 =	sld [smem:$0x3FAA]  }
0x2f: {  	lr =	sadd.s32 s0, s3;
	s0 =	sld [smem:$0x3FA1]  }
0x30: {  	s3 =	sld [smem:$0x3FA4]  }
0x31: {  	[smem:$0x3FAD] =	sst s10  }
0x32: {  	s10 =	sld [smem:$0x3FAB];
	_ =	sdelay $0x3  }
0x33: {  	p0 =	seq.s32 s10, $0x1;
	s10 =	sld [smem:$0x3FAD];
	_ =	sdelay $0x3  }
0x34: {  	[smem:$0x3FAD] =	sst s10  }
0x35: {  	s10 =	sld [smem:$0x3FAC];
	_ =	sdelay $0x3  }
0x36: {  	p1 =	seq.s32 s10, $0x1;
	s10 =	sld [smem:$0x3FAD];
	_ =	sdelay $0x3  }
0x37: {  	[smem:$0x3FAD] =	sst s10  }
0x38: {  	s10 =	sld [smem:$0x3FAE]  }
0x39: {  	_ = 	snop;
	(pc) =	sbr.ind lr, $3  }
0x3a: {  	_ = 	snop  }
0x3b: {  	_ = 	snop  }
0x3c: {  	p2 =	seq.s32 s10, $0x1;
	s10 =	sld [smem:$0x3FAD]  }
0x3d: {  	_ =	shalt  }
0x3e: {  	_ =	shalt  }
0x3f: {  	_ =	shalt  }
0x40: {  	_ =	shalt  }
0x41: {  	_ =	shalt  }
0x42: {  	_ =	shalt  }
0x43: {  	_ =	shalt  }
0x44: {  	_ =	shalt  }
0x45: {  	_ =	shalt  }
0x46: {  	_ =	shalt  }
0x47: {  	_ =	shalt  }
0x48: {  	_ =	shalt  }
0x49: {  	_ =	shalt  }
0x4a: {  	_ =	shalt  }
0x4b: {  	_ =	shalt  }
0x4c: {  	_ =	shalt  }
0x4d: {  	_ =	shalt  }
0x4e: {  	_ =	shalt  }
0x4f: {  	_ =	shalt  }
0x50: {  	_ =	shalt  }
0x51: {  	_ =	shalt  }
0x52: {  	_ =	shalt  }
0x53: {  	_ =	shalt  }
0x54: {  	_ =	shalt  }
0x55: {  	_ =	shalt  }
0x56: {  	_ =	shalt  }
0x57: {  	_ =	shalt  }
0x58: {  	_ =	shalt  }
0x59: {  	_ =	shalt  }
0x5a: {  	_ =	shalt  }
0x5b: {  	_ =	shalt  }
0x5c: {  	_ =	shalt  }
0x5d: {  	_ =	shalt  }
0x5e: {  	_ =	shalt  }
0x5f: {  	_ =	shalt  }
0x60: {  	_ =	shalt  }
0x61: {  	_ =	shalt  }
0x62: {  	_ =	shalt  }
0x63: {  	_ =	shalt  }
0x64: {  	_ =	shalt  }
0x65: {  	_ =	shalt  }
0x66: {  	_ =	shalt  }
0x67: {  	_ =	shalt  }
0x68: {  	_ =	shalt  }
0x69: {  	_ =	shalt  }
0x6a: {  	_ =	shalt  }
0x6b: {  	_ =	shalt  }
0x6c: {  	_ =	shalt  }
0x6d: {  	_ =	shalt  }
0x6e: {  	_ =	shalt  }
0x6f: {  	_ =	shalt  }
0x70: {  	_ =	shalt  }
0x71: {  	_ =	shalt  }
0x72: {  	_ =	shalt  }
0x73: {  	_ =	shalt  }
0x74: {  	_ =	shalt  }
0x75: {  	_ =	shalt  }
0x76: {  	_ =	shalt  }
0x77: {  	_ =	shalt  }
0x78: {  	_ =	shalt  }
0x79: {  	_ =	shalt  }
0x7a: {  	_ =	shalt  }
0x7b: {  	_ =	shalt  }
0x7c: {  	_ =	shalt  }
0x7d: {  	_ =	shalt  }
0x7e: {  	_ =	shalt  }
0x7f: {  	_ =	shalt  }
0x80: {  	_ =	shalt  }
0x81: {  	_ =	shalt  }
0x82: {  	_ =	shalt  }
0x83: {  	_ =	shalt  }
0x84: {  	_ =	shalt  }
0x85: {  	_ =	shalt  }
0x86: {  	_ =	shalt  }
0x87: {  	_ =	shalt  }
.Lfunc_end0:
.L_simem_size_0:
called_computation.2_lowered:
.L_overlay_start_0:
0x88: {  	s2 =	sld [smem:$0x3FD9]  }
0x89: {  	s3 =	sld [smem:$0x3FFE];
	_ =	sdelay $0x1  }
0x8a: {  	s1 =	srdreg.scid  }
0x8b: {  	s0 =	sand.u32 $0x1, s1  }
0x8c: {  	s16 =	sshll.u32 s0, $0xA;
	s2 =	sadd.s32 s3, s2  }
0x8d: {  	s2 =	sadd.s32 s2, s16  }
0x8e: {  	[smem:$0x3FB9] =	sst s2  }
0x8f: {  	_ = 	snop  }
0x90: {  	(tm) =	ssettm $0x1  }
0x91: {  	s17 =	sld [smem:$0x3FFB];
	_ =	sdelay $0x3  }
0x92: {  	_ =	strace s17  }
0x93: {  	s2 =	sld [smem:$0x3FFC];
	_ =	sdelay $0x3  }
0x94: {  	_ =	strace s2  }
0x95: {  	s2 =	sld [smem:$0x3FFD];
	_ =	sdelay $0x3  }
0x96: {  	_ =	strace s2  }
0x97: {  	_ =	strace $0x8FFFFFFF  }
0x98: {  	s18 =	sld [smem:$0x3FDB];
	_ =	sdelay $0x1  }
0x99: {  	s19 =	simm.s32 $_scs_section_size  }
0x9a: {  	s4 =	simm.s32 $_size__tile_overlayer_lowered;
	s5 =	simm.s32 $_tile_overlayer_lowered  }
0x9b: {  	s22 =	simm.s32 $0x1BFF;
	s21 =	sshll.u32 s5, $0x1;
	s2 =	sadd.s32 s19, s18  }
0x9c: {  	s6 =	simm.s32 $0x0;
	s20 =	sshll.u32 s4, $0x1;
	s4 =	sadd.s32 s21, s2  }
0x9d: {  	[timem:s6], [sflag:s22] =	dma.local [hbm:s4], s20  }
0x9e: {  	_ =	swait.ge [sflag:s22], s20  }
0x9f: {  	s3 =	ssub.s32 $0x0, s20;
	[sflag:s22] =	ssyncset.done $0x0  }
0xa0: {  	[sflag:s22] =	ssyncadd.s32 s3;
	_ =	sdelay $0x1  }
0xa1: {  	s23 =	simm.s32 $0x1B8B  }
0xa2: {  	_ =	swait.ge [sflag:s23], $0x1  }
0xa3: {  	[sflag:s23] =	ssyncset.done $0x0  }
0xa4: {  	s25 =	simm.s32 $0x1B8E;
	s24 =	sld [smem:$0x3FFE];
	[sflag:s23] =	ssyncadd.s32 $0xFFFFFFFF  }
0xa5: {  	s26 =	simm.s32 $execute0_lowered;
	[smem:$0x3FD2] =	sst s25  }
0xa6: {  	s4 =	sshll.u32 s26, $0x1;
	_ =	strace $0x8000004C;
	[dreg:$0x1] =	wrdreg $0xFFFFFFFF  }
0xa7: {  	s28 =	simm.s32 $_size_execute0_lowered;
	s2 =	sadd.s32 s2, s4;
	[dreg:$0x0] =	wrdreg $0x0  }
0xa8: {  	s4 =	sshll.u32 s28, $0x1;
	[dreg:$0x2] =	wrdreg s2  }
0xa9: {  	[dreg:$0x3] =	wrdreg s4  }
0xaa: {  	[dreg:$0x4] =	wrdreg $0xC0  }
0xab: {  	_ =	task [dreg:s6], $0x5FFFF  }
0xac: {  	[dreg:$0x1] =	wrdreg $0xFFFFFFFF  }
0xad: {  	[dreg:$0x0] =	wrdreg $0x60  }
0xae: {  	[dreg:$0x2] =	wrdreg s24  }
0xaf: {  	[dreg:$0x3] =	wrdreg $0x9C000  }
0xb0: {  	[dreg:$0x4] =	wrdreg $0x9  }
0xb1: {  	_ =	task.clear_ibuf [dreg:s6], $0x5FFFF;
	_ =	strace $0x9000004C  }
0xb2: {  	s29 =	simm.s32 $0x9;
	_ =	strace $0x8000004E  }
0xb3: {  	_ =	swait.ge [sflag:s29], $0x1  }
0xb4: {  	[sflag:s29] =	ssyncadd.s32 $0xFFFFFFFF  }
0xb5: {  	_ =	strace $0x9000004E  }
0xb6: {  	_ =	sfence  }
0xb7: {  	s30 =	sld [smem:$0x0];
	_ =	sdelay $0x2  }
0xb8: {  	s31 =	sshll.u32 s1, $0xD;
	s1 =	sshrl.u32 s1, $0x2  }
0xb9: {  	s3 =	sand.u32 $0x4000, s31;
	s1 =	sadd.s32 s1, s30  }
0xba: {  	s0 =	sor.u32 s3, s0;
	s1 =	sshll.u32 s1, $0x11  }
0xbb: {  	s0 =	sor.u32 s1, s0  }
0xbc: {  	s0 =	sadd.s32 $0x8F2B, s0  }
0xbd: {  	[sflag:s0] =	ssyncadd.remote.s32 $0x1  }
0xbe: {  	_ =	sfence.sel $0xFFFF  }
0xbf: {  	[dreg:$0x0] =	wrdreg $0xFFFFFFFF;
	(pc) =	sbr.abs _section_cstart, $3  }
0xc0: {  	[dreg:$0x1] =	wrdreg $0xFFFFFFFF  }
0xc1: {  	_ =	task.clear_ibuf [dreg:s6], $0x2FFFF;
	_ =	strace $0x9FFFFFFF  }
0xc2: {  	(tm) =	ssettm $0x7FFFFFFF  }
0xc3: {  	_ =	shalt  }
tec
execute0_lowered:
.L_overlay_start_1:
0x0: {  	(tag) =	ssettag $0x1  }
0x1: {  	s7 =	rddreg [dreg:$0x0]  }
0x2: {  	s0 =	srdreg.scid;
	s2 =	rddreg [dreg:$0x1]  }
0x3: {  	s3 =	simm.s32 $0x0;
	s14 =	simm.s32 $0x64;
	s15 =	simm.s32 $0x6800  }
0x4: {  	s16 =	simm.s32 $0x1;
	s6 =	sand.u32 $0x1, s0;
	s0 =	stileid.u32  }
0x5: {  	s17 =	simm.s32 $0x0;
	[smem:$0x7FF] =	sst s3;
	s8 =	smul.u32 $0x140000, s6  }
0x6: {  	s4 =	sadd.s32 $0x1DC00, s7;
	s1 =	sshll.u32 s6, $0x4;
	s9 =	smul.u32 $0x14000, s0  }
0x7: {  	s28 =	smul.u32 $0x50000, s0;
	s6 =	ssub.s32 $0x2, s6;
	s1 =	sor.u32 s0, s1  }
0x8: {  	s31 =	sshll.u32 s0, $0x6;
	s29 =	sshrl.u32 s6, $0x1;
	s5 =	smul.u32 $0x680, s1  }
0x9: {  	s1 =	rddreg [dreg:$0x2];
	_ =	strace $0x8000004D;
	s8 =	sadd.s32 s9, s8  }
0xa: {  	s30 =	sshrl.u32 s28, $0x2;
	s12 =	ssub.s32 s6, s29;
	s6 =	sor.u32 $0x1C02, s31  }
0xb: {  	s8 =	sshrl.u32 s8, $0x3;
	s13 =	sadd.s32 s30, s2;
	s10 =	sadd.s32 s5, s7  }
0xc: {  	s5 =	sadd.s32 $0x44E00, s7;
	s11 =	sadd.s32 s8, s7;
	s7 =	sadd.s32 $0x3C00, s10  }
0xd: {  	s8 =	sadd.s32 $0x10C00, s10;
	s9 =	sadd.s32 $0x47600, s11;
	s10 =	smax.u32 s12, $0x1  }
0xe: {  	s11 =	sshrl.u32 s13, $0x3;
	s12 =	simm.s32 $0x2;
	s13 =	simm.s32 $0x3400  }
.LBB2_1:
0xf: {  	[spmem:s11], [sflag:s6] =	dma.local [hbm:s5], $0x2800  }
0x10: {  	_ =	swait.ge [sflag:s12], $0x2800  }
0x11: {  	[sflag:s12] =	ssyncset.done $0x0  }
0x12: {  	[sflag:s12] =	ssyncadd.s32 $0xFFFFD800  }
0x13: {  	[tilespmem:s3], [sflag:$0x2] =	stream.linear.gather [hbm4b:s7+s3], $0x3200, $0x38;
	[tilespmem:$0x1DC00] =	vst v63  }
0x14: {  	_ =	swait.ge [sflag:s12], $0x3200  }
0x15: {  	[sflag:s12] =	ssyncset.done $0x0  }
0x16: {  	[sflag:s12] =	ssyncadd.s32 $0xFFFFCE00  }
0x17: {  	[tilespmem:s13], [sflag:$0x2] =	stream.linear.gather [hbm4b:s8+s3], $0x3200, $0x38;
	[tilespmem:$0x1DC00] =	vst v63  }
0x18: {  	_ =	swait.ge [sflag:s12], $0x3200  }
0x19: {  	[sflag:s12] =	ssyncset.done $0x0  }
0x1a: {  	[sflag:s12] =	ssyncadd.s32 $0xFFFFCE00  }
0x1b: {  	s18 =	simm.s32 $0x0;
	[bflag:$0x0] =	sbarrier.arrive $0xFFFF  }
0x1c: {  	[tilespmem:s15], [sflag:$0x1] =	stream.indirect.gather [hbm4b:s4+s14], $0x80, s18, s14, $0xb8;
	[tilespmem:$0x1DC00] =	vst v63  }
0x1d: {  	_ =	swait.ge [sflag:s16], $0x3200  }
0x1e: {  	[sflag:s16] =	ssyncset.done $0x0  }
0x1f: {  	s31 =	simm.s32 $0x3400;
	[sflag:s16] =	ssyncadd.s32 $0xFFFFCE00  }
0x20: {  	[spmem:s2] =	stream.indirect.scatter.add.f32 [tilespmem:s15], [sflag:$0x2], $0x80, s31, s14, $0xb8;
	[tilespmem:$0x1DC00] =	vst v63  }
0x21: {  	_ =	swait.ge [sflag:s12], $0x3200  }
0x22: {  	s19 =	simm.s32 $0x400;
	s18 =	simm.s32 $0x200;
	[sflag:s12] =	ssyncset.done $0x0  }
.LBB2_2:
0x23: {  	s20 =	sshra.s32 s18, $0x2  }
0x24: {  	[sflag:s12] =	ssyncadd.s32 $0xFFFFCE00;
	s18 =	smov.u32 s19;
	s21 =	sadd.s32 $0x200, s19  }
0x25: {  	[tilespmem:s15], [sflag:$0x1] =	stream.indirect.gather [hbm4b:s4+s14], $0x80, s20, s14, $0xb8;
	[tilespmem:$0x1DC00] =	vst v63  }
0x26: {  	p0 =	sne.s32 s19, $0xC600;
	_ =	swait.ge [sflag:s16], $0x3200  }
.Ltmp0:
0x27: {  	[sflag:s16] =	ssyncset.done $0x0;
	(pc) =	sbr.rel @p0 .LBB2_2-.Ltmp0, $4  }
0x28: {  	s19 =	sadd.s32 $0x3400, s20;
	[sflag:s16] =	ssyncadd.s32 $0xFFFFCE00  }
0x29: {  	[spmem:s2] =	stream.indirect.scatter.add.f32 [tilespmem:s15], [sflag:$0x2], $0x80, s19, s14, $0xb8;
	[tilespmem:$0x1DC00] =	vst v63  }
0x2a: {  	_ =	swait.ge [sflag:s12], $0x3200  }
0x2b: {  	s19 =	smov.u32 s21;
	[sflag:s12] =	ssyncset.done $0x0  }
0x2c: {  	s18 =	sshra.s32 s18, $0x2;
	[sflag:s12] =	ssyncadd.s32 $0xFFFFCE00  }
0x2d: {  	[tilespmem:s15], [sflag:$0x1] =	stream.indirect.gather [hbm4b:s4+s14], $0x80, s18, s14, $0xb8;
	[tilespmem:$0x1DC00] =	vst v63  }
0x2e: {  	_ =	swait.ge [sflag:s16], $0x3200  }
0x2f: {  	[sflag:s16] =	ssyncset.done $0x0  }
0x30: {  	s18 =	sadd.s32 $0x3400, s18;
	[sflag:s16] =	ssyncadd.s32 $0xFFFFCE00  }
0x31: {  	[spmem:s2] =	stream.indirect.scatter.add.f32 [tilespmem:s15], [sflag:$0x2], $0x80, s18, s14, $0xb8;
	[tilespmem:$0x1DC00] =	vst v63  }
0x32: {  	_ =	swait.ge [sflag:s12], $0x3200  }
0x33: {  	s17 =	sadd.s32 $0x1, s17;
	[sflag:s12] =	ssyncset.done $0x0  }
0x34: {  	p0 =	sne.s32 s17, s10;
	[sflag:s12] =	ssyncadd.s32 $0xFFFFCE00  }
.Ltmp1:
0x35: {  	[bflag:$0x0] =	sbarrier.arrive $0xFFFF;
	(pc) =	sbr.rel @p0 .LBB2_1-.Ltmp1, $4  }
0x36: {  	[hbm:s9], [sflag:s6] =	dma.local [spmem:s11], $0x2800  }
0x37: {  	_ =	swait.ge [sflag:s12], $0x2800  }
0x38: {  	[sflag:s12] =	ssyncset.done $0x0  }
0x39: {  	[sflag:s12] =	ssyncadd.s32 $0xFFFFD800  }
0x3a: {  	_ =	sfence.sel $0x180000  }
0x3b: {  	[bflag:$0x0] =	sbarrier.arrive $0xFFFF  }
0x3c: {  	p0 =	sne.s32 s0, $0x0;
	_ =	strace $0x9000004D  }
0x3d: {  	s0 =	sadd.s32 @!p0 $0x100000, s1;
	[bflag:$0x2] =	sbarrier.arrive $0xFFFF  }
0x3e: {  	[sflag:s0] =	ssyncadd.tile.s32 @!p0 $0x1;
	_ =	shalt  }
.Lfunc_end2:
_tile_overlayer_lowered:
.L_overlay_start_2:
0x3f: {  	(tag) =	ssettag $0x2  }
0x40: {  	s0 =	rddreg [dreg:$0x0];
	s2 =	stileid.u32  }
0x41: {  	s1 =	rddreg [dreg:$0x1];
	p0 =	sne.s32 s2, $0x0  }
0x42: {  	s3 =	rddreg [dreg:$0x2];
	[bflag:$0x3] =	sbarrier.arrive $0xFFFF;
	s2 =	simm.s32 @!p0 $0x1C02  }
0x43: {  	[timem:s3], [sflag:s2] =	dma.local @!p0 [hbm:s0], s1  }
0x44: {  	s0 =	simm.s32 @!p0 $0x2  }
0x45: {  	_ =	swait.ge @!p0 [sflag:s0], s1  }
0x46: {  	s1 =	ssub.s32 @!p0 $0x0, s1;
	[sflag:s0] =	ssyncset.done @!p0 $0x0  }
0x47: {  	[sflag:s0] =	ssyncadd.s32 @!p0 s1  }
0x48: {  	[bflag:$0x3] =	sbarrier.arrive $0xFFFF  }
0x49: {  	_ =	shalt  }

// kernel: kernel.9.cloned.1.call-start
scs
__scs_entry_jumppad:
0x0: {  	(pc) =	sbr.rel $0x88, $3  }
0x1: {  	(tag) =	ssettag $0x0;
	lr =	simm.s32 $0x1  }
0x2: {  	[smem:$0x3F92] =	sst lr;
	_ =	strace $0xD0000000  }
0x3: {  	_ = 	snop  }
0x4: {  	_ = 	snop  }
0x5: {  	_ = 	snop  }
0x6: {  	_ = 	snop  }
0x7: {  	_ = 	snop  }
__scs_overlays_trampoline_lowered:
0x8: {  	[smem:$0x3FA1] =	sst s0  }
0x9: {  	[smem:$0x3FA2] =	sst s1  }
0xa: {  	[smem:$0x3FA3] =	sst s2  }
0xb: {  	[smem:$0x3FA4] =	sst s3  }
0xc: {  	[smem:$0x3FA5] =	sst s4  }
0xd: {  	[smem:$0x3FA6] =	sst s5  }
0xe: {  	[smem:$0x3FA7] =	sst s6  }
0xf: {  	[smem:$0x3FA8] =	sst s7  }
0x10: {  	[smem:$0x3FA9] =	sst s8  }
0x11: {  	[smem:$0x3FAA] =	sst s9;
	s0 =	simm.s32 @!p0 $0x0  }
0x12: {  	s1 =	sld [smem:$0x3F90];
	s0 =	simm.s32 @p0 $0x1  }
0x13: {  	[smem:$0x3FAB] =	sst s0;
	s0 =	simm.s32 @!p1 $0x0  }
0x14: {  	s2 =	sld [smem:$0x3F8F];
	s0 =	simm.s32 @p1 $0x1  }
0x15: {  	[smem:$0x3FAC] =	sst s0;
	s0 =	simm.s32 @!p2 $0x0  }
0x16: {  	s3 =	sld [smem:$0x3FDB];
	s0 =	simm.s32 @p2 $0x1  }
0x17: {  	s4 =	simm.s32 $0x1BF5;
	[smem:$0x3FAE] =	sst s0  }
0x18: {  	s0 =	sld [smem:$0x3F91];
	_ =	swait.ge [sflag:s4], $0x0  }
0x19: {  	s7 =	sld [smem:$0x3F92]  }
0x1a: {  	s8 =	sadd.s32 $0xFFFFE003, lr  }
0x1b: {  	s9 =	sadd.s32 $0xFFFFFEF7, lr;
	s5 =	simm.s32 $0xFFFFFFFF;
	p2 =	slt.u32 s8, $0xFFFFF086  }
0x1c: {  	p1 =	slt.u32 s9, $0xF7A;
	s5 =	simm.s32 @!p2 $0x0  }
0x1d: {  	s5 =	simm.s32 @p1 $0x1;
	p0 =	seq.s32 s7, s2  }
0x1e: {  	s7 =	smul.u32 @!p0 $0xF7A, s2;
	p2 =	seq.s32 @!p0 s5, $0x0  }
0x1f: {  	s9 =	smul.u32 $0xF7A, s1;
	s8 =	simm.s32 @!p0 $0x1BF5;
	p2 =	por !p2, p0  }
0x20: {  	[sflag:s8] =	ssyncset.s32 @!p0 $0xFFFFF086;
	s6 =	sadd.s32 @!p0 s3, s7;
	s7 =	simm.s32 @!p0 $0x108  }
0x21: {  	s3 =	sadd.s32 s3, s9;
	s6 =	sadd.s32 @!p0 $0x88, s6;
	s7 =	simm.s32 @p2 $0x1082  }
0x22: {  	[simem:s7], [sflag:s8] =	dma.local @!p0 [hbm:s6], $0xF7A  }
0x23: {  	s9 =	sor.u32 $0xD0000000, s2;
	s6 =	simm.s32 $0x108;
	_ =	swait.ge @!p0 [sflag:s8], $0x0  }
0x24: {  	s3 =	sadd.s32 $0x88, s3;
	s6 =	simm.s32 @!p1 $0x1082;
	[sflag:s4] =	ssyncset.s32 $0xFFFFF086  }
0x25: {  	[simem:s6], [sflag:s4] =	dma.local [hbm:s3], $0xF7A  }
0x26: {  	[smem:$0x3F92] =	sst s1;
	(tag) =	ssettag s2;
	_ =	strace s9  }
0x27: {  	s1 =	sld [smem:$0x3FA2]  }
0x28: {  	s2 =	sld [smem:$0x3FA3]  }
0x29: {  	s4 =	sld [smem:$0x3FA5]  }
0x2a: {  	p0 =	seq.s32 s5, $0x0;
	s5 =	sld [smem:$0x3FA6]  }
0x2b: {  	s6 =	sld [smem:$0x3FA7]  }
0x2c: {  	s7 =	sld [smem:$0x3FA8]  }
0x2d: {  	s3 =	simm.s32 $0x108;
	s8 =	sld [smem:$0x3FA9]  }
0x2e: {  	s3 =	simm.s32 @!p0 $0x1082;
	s9 =	sld [smem:$0x3FAA]  }
0x2f: {  	lr =	sadd.s32 s0, s3;
	s0 =	sld [smem:$0x3FA1]  }
0x30: {  	s3 =	sld [smem:$0x3FA4]  }
0x31: {  	[smem:$0x3FAD] =	sst s10  }
0x32: {  	s10 =	sld [smem:$0x3FAB];
	_ =	sdelay $0x3  }
0x33: {  	p0 =	seq.s32 s10, $0x1;
	s10 =	sld [smem:$0x3FAD];
	_ =	sdelay $0x3  }
0x34: {  	[smem:$0x3FAD] =	sst s10  }
0x35: {  	s10 =	sld [smem:$0x3FAC];
	_ =	sdelay $0x3  }
0x36: {  	p1 =	seq.s32 s10, $0x1;
	s10 =	sld [smem:$0x3FAD];
	_ =	sdelay $0x3  }
0x37: {  	[smem:$0x3FAD] =	sst s10  }
0x38: {  	s10 =	sld [smem:$0x3FAE]  }
0x39: {  	_ = 	snop;
	(pc) =	sbr.ind lr, $3  }
0x3a: {  	_ = 	snop  }
0x3b: {  	_ = 	snop  }
0x3c: {  	p2 =	seq.s32 s10, $0x1;
	s10 =	sld [smem:$0x3FAD]  }
0x3d: {  	_ =	shalt  }
0x3e: {  	_ =	shalt  }
0x3f: {  	_ =	shalt  }
0x40: {  	_ =	shalt  }
0x41: {  	_ =	shalt  }
0x42: {  	_ =	shalt  }
0x43: {  	_ =	shalt  }
0x44: {  	_ =	shalt  }
0x45: {  	_ =	shalt  }
0x46: {  	_ =	shalt  }
0x47: {  	_ =	shalt  }
0x48: {  	_ =	shalt  }
0x49: {  	_ =	shalt  }
0x4a: {  	_ =	shalt  }
0x4b: {  	_ =	shalt  }
0x4c: {  	_ =	shalt  }
0x4d: {  	_ =	shalt  }
0x4e: {  	_ =	shalt  }
0x4f: {  	_ =	shalt  }
0x50: {  	_ =	shalt  }
0x51: {  	_ =	shalt  }
0x52: {  	_ =	shalt  }
0x53: {  	_ =	shalt  }
0x54: {  	_ =	shalt  }
0x55: {  	_ =	shalt  }
0x56: {  	_ =	shalt  }
0x57: {  	_ =	shalt  }
0x58: {  	_ =	shalt  }
0x59: {  	_ =	shalt  }
0x5a: {  	_ =	shalt  }
0x5b: {  	_ =	shalt  }
0x5c: {  	_ =	shalt  }
0x5d: {  	_ =	shalt  }
0x5e: {  	_ =	shalt  }
0x5f: {  	_ =	shalt  }
0x60: {  	_ =	shalt  }
0x61: {  	_ =	shalt  }
0x62: {  	_ =	shalt  }
0x63: {  	_ =	shalt  }
0x64: {  	_ =	shalt  }
0x65: {  	_ =	shalt  }
0x66: {  	_ =	shalt  }
0x67: {  	_ =	shalt  }
0x68: {  	_ =	shalt  }
0x69: {  	_ =	shalt  }
0x6a: {  	_ =	shalt  }
0x6b: {  	_ =	shalt  }
0x6c: {  	_ =	shalt  }
0x6d: {  	_ =	shalt  }
0x6e: {  	_ =	shalt  }
0x6f: {  	_ =	shalt  }
0x70: {  	_ =	shalt  }
0x71: {  	_ =	shalt  }
0x72: {  	_ =	shalt  }
0x73: {  	_ =	shalt  }
0x74: {  	_ =	shalt  }
0x75: {  	_ =	shalt  }
0x76: {  	_ =	shalt  }
0x77: {  	_ =	shalt  }
0x78: {  	_ =	shalt  }
0x79: {  	_ =	shalt  }
0x7a: {  	_ =	shalt  }
0x7b: {  	_ =	shalt  }
0x7c: {  	_ =	shalt  }
0x7d: {  	_ =	shalt  }
0x7e: {  	_ =	shalt  }
0x7f: {  	_ =	shalt  }
0x80: {  	_ =	shalt  }
0x81: {  	_ =	shalt  }
0x82: {  	_ =	shalt  }
0x83: {  	_ =	shalt  }
0x84: {  	_ =	shalt  }
0x85: {  	_ =	shalt  }
0x86: {  	_ =	shalt  }
0x87: {  	_ =	shalt  }
.Lfunc_end0:
.L_simem_size_0:
called_computation_lowered:
.L_overlay_start_0:
0x88: {  	s2 =	sld [smem:$0x3FD9]  }
0x89: {  	s3 =	sld [smem:$0x3FFE];
	_ =	sdelay $0x1  }
0x8a: {  	s1 =	srdreg.scid  }
0x8b: {  	s0 =	sand.u32 $0x1, s1  }
0x8c: {  	s16 =	sshll.u32 s0, $0xA;
	s2 =	sadd.s32 s3, s2  }
0x8d: {  	s2 =	sadd.s32 s2, s16  }
0x8e: {  	[smem:$0x3FB9] =	sst s2  }
0x8f: {  	_ = 	snop  }
0x90: {  	(tm) =	ssettm $0x1  }
0x91: {  	s17 =	sld [smem:$0x3FFB];
	_ =	sdelay $0x3  }
0x92: {  	_ =	strace s17  }
0x93: {  	s2 =	sld [smem:$0x3FFC];
	_ =	sdelay $0x3  }
0x94: {  	_ =	strace s2  }
0x95: {  	s2 =	sld [smem:$0x3FFD];
	_ =	sdelay $0x3  }
0x96: {  	_ =	strace s2  }
0x97: {  	_ =	strace $0x8FFFFFFF  }
0x98: {  	s18 =	sld [smem:$0x3FDB];
	_ =	sdelay $0x1  }
0x99: {  	s19 =	simm.s32 $_scs_section_size  }
0x9a: {  	s4 =	simm.s32 $_size__tile_overlayer_lowered;
	s5 =	simm.s32 $_tile_overlayer_lowered  }
0x9b: {  	s22 =	simm.s32 $0x1BFF;
	s21 =	sshll.u32 s5, $0x1;
	s2 =	sadd.s32 s19, s18  }
0x9c: {  	s6 =	simm.s32 $0x0;
	s20 =	sshll.u32 s4, $0x1;
	s4 =	sadd.s32 s21, s2  }
0x9d: {  	[timem:s6], [sflag:s22] =	dma.local [hbm:s4], s20  }
0x9e: {  	_ =	swait.ge [sflag:s22], s20  }
0x9f: {  	s3 =	ssub.s32 $0x0, s20;
	[sflag:s22] =	ssyncset.done $0x0  }
0xa0: {  	[sflag:s22] =	ssyncadd.s32 s3;
	_ =	sdelay $0x1  }
0xa1: {  	s23 =	simm.s32 $0x1B8B  }
0xa2: {  	_ =	swait.ge [sflag:s23], $0x1  }
0xa3: {  	[sflag:s23] =	ssyncset.done $0x0  }
0xa4: {  	s25 =	simm.s32 $0x1B8E;
	s24 =	sld [smem:$0x3FFE];
	[sflag:s23] =	ssyncadd.s32 $0xFFFFFFFF  }
0xa5: {  	s26 =	simm.s32 $execute0_lowered;
	[smem:$0x3FD2] =	sst s25  }
0xa6: {  	s4 =	sshll.u32 s26, $0x1;
	_ =	strace $0x80000046;
	[dreg:$0x1] =	wrdreg $0xFFFFFFFF  }
0xa7: {  	s28 =	simm.s32 $_size_execute0_lowered;
	s2 =	sadd.s32 s2, s4;
	[dreg:$0x0] =	wrdreg $0x0  }
0xa8: {  	s4 =	sshll.u32 s28, $0x1;
	[dreg:$0x2] =	wrdreg s2  }
0xa9: {  	[dreg:$0x3] =	wrdreg s4  }
0xaa: {  	[dreg:$0x4] =	wrdreg $0xC0  }
0xab: {  	_ =	task [dreg:s6], $0x5FFFF  }
0xac: {  	[dreg:$0x1] =	wrdreg $0xFFFFFFFF  }
0xad: {  	[dreg:$0x0] =	wrdreg $0x60  }
0xae: {  	[dreg:$0x2] =	wrdreg s24  }
0xaf: {  	[dreg:$0x3] =	wrdreg $0x9C000  }
0xb0: {  	[dreg:$0x4] =	wrdreg $0x9  }
0xb1: {  	_ =	task.clear_ibuf [dreg:s6], $0x5FFFF;
	_ =	strace $0x90000046  }
0xb2: {  	s29 =	simm.s32 $0x9;
	_ =	strace $0x80000048  }
0xb3: {  	_ =	swait.ge [sflag:s29], $0x1  }
0xb4: {  	[sflag:s29] =	ssyncadd.s32 $0xFFFFFFFF  }
0xb5: {  	_ =	strace $0x90000048  }
0xb6: {  	_ =	sfence  }
0xb7: {  	s30 =	sld [smem:$0x0];
	_ =	sdelay $0x2  }
0xb8: {  	s31 =	sshll.u32 s1, $0xD;
	s1 =	sshrl.u32 s1, $0x2  }
0xb9: {  	s3 =	sand.u32 $0x4000, s31;
	s1 =	sadd.s32 s1, s30  }
0xba: {  	s0 =	sor.u32 s3, s0;
	s1 =	sshll.u32 s1, $0x11  }
0xbb: {  	s0 =	sor.u32 s1, s0  }
0xbc: {  	s0 =	sadd.s32 $0x8F2B, s0  }
0xbd: {  	[sflag:s0] =	ssyncadd.remote.s32 $0x1  }
0xbe: {  	_ =	sfence.sel $0xFFFF  }
0xbf: {  	[dreg:$0x0] =	wrdreg $0xFFFFFFFF;
	(pc) =	sbr.abs _section_cstart, $3  }
0xc0: {  	[dreg:$0x1] =	wrdreg $0xFFFFFFFF  }
0xc1: {  	_ =	task.clear_ibuf [dreg:s6], $0x2FFFF;
	_ =	strace $0x9FFFFFFF  }
0xc2: {  	(tm) =	ssettm $0x7FFFFFFF  }
0xc3: {  	_ =	shalt  }
tec
execute0_lowered:
.L_overlay_start_1:
0x0: {  	(tag) =	ssettag $0x1  }
0x1: {  	s7 =	rddreg [dreg:$0x0]  }
0x2: {  	s0 =	srdreg.scid;
	s2 =	rddreg [dreg:$0x1]  }
0x3: {  	s3 =	simm.s32 $0x0;
	s14 =	simm.s32 $0x64;
	s15 =	simm.s32 $0x6800  }
0x4: {  	s16 =	simm.s32 $0x1;
	s6 =	sand.u32 $0x1, s0;
	s0 =	stileid.u32  }
0x5: {  	s17 =	simm.s32 $0x0;
	[smem:$0x7FF] =	sst s3;
	s8 =	smul.u32 $0x140000, s6  }
0x6: {  	s4 =	sadd.s32 $0x1DC00, s7;
	s1 =	sshll.u32 s6, $0x4;
	s9 =	smul.u32 $0x14000, s0  }
0x7: {  	s28 =	smul.u32 $0x50000, s0;
	s6 =	ssub.s32 $0x2, s6;
	s1 =	sor.u32 s0, s1  }
0x8: {  	s31 =	sshll.u32 s0, $0x6;
	s29 =	sshrl.u32 s6, $0x1;
	s5 =	smul.u32 $0x680, s1  }
0x9: {  	s1 =	rddreg [dreg:$0x2];
	_ =	strace $0x80000047;
	s8 =	sadd.s32 s9, s8  }
0xa: {  	s30 =	sshrl.u32 s28, $0x2;
	s12 =	ssub.s32 s6, s29;
	s6 =	sor.u32 $0x1C02, s31  }
0xb: {  	s8 =	sshrl.u32 s8, $0x3;
	s13 =	sadd.s32 s30, s2;
	s10 =	sadd.s32 s5, s7  }
0xc: {  	s5 =	sadd.s32 $0x44E00, s7;
	s11 =	sadd.s32 s8, s7;
	s7 =	sadd.s32 $0x3C00, s10  }
0xd: {  	s8 =	sadd.s32 $0x10C00, s10;
	s9 =	sadd.s32 $0x47600, s11;
	s10 =	smax.u32 s12, $0x1  }
0xe: {  	s11 =	sshrl.u32 s13, $0x3;
	s12 =	simm.s32 $0x2;
	s13 =	simm.s32 $0x3400  }
.LBB2_1:
0xf: {  	[spmem:s11], [sflag:s6] =	dma.local [hbm:s5], $0x2800  }
0x10: {  	_ =	swait.ge [sflag:s12], $0x2800  }
0x11: {  	[sflag:s12] =	ssyncset.done $0x0  }
0x12: {  	[sflag:s12] =	ssyncadd.s32 $0xFFFFD800  }
0x13: {  	[tilespmem:s3], [sflag:$0x2] =	stream.linear.gather [hbm4b:s7+s3], $0x3200, $0x38;
	[tilespmem:$0x1DC00] =	vst v63  }
0x14: {  	_ =	swait.ge [sflag:s12], $0x3200  }
0x15: {  	[sflag:s12] =	ssyncset.done $0x0  }
0x16: {  	[sflag:s12] =	ssyncadd.s32 $0xFFFFCE00  }
0x17: {  	[tilespmem:s13], [sflag:$0x2] =	stream.linear.gather [hbm4b:s8+s3], $0x3200, $0x38;
	[tilespmem:$0x1DC00] =	vst v63  }
0x18: {  	_ =	swait.ge [sflag:s12], $0x3200  }
0x19: {  	[sflag:s12] =	ssyncset.done $0x0  }
0x1a: {  	[sflag:s12] =	ssyncadd.s32 $0xFFFFCE00  }
0x1b: {  	s18 =	simm.s32 $0x0;
	[bflag:$0x0] =	sbarrier.arrive $0xFFFF  }
0x1c: {  	[tilespmem:s15], [sflag:$0x1] =	stream.indirect.gather [hbm4b:s4+s14], $0x80, s18, s14, $0xb8;
	[tilespmem:$0x1DC00] =	vst v63  }
0x1d: {  	_ =	swait.ge [sflag:s16], $0x3200  }
0x1e: {  	[sflag:s16] =	ssyncset.done $0x0  }
0x1f: {  	s31 =	simm.s32 $0x3400;
	[sflag:s16] =	ssyncadd.s32 $0xFFFFCE00  }
0x20: {  	[spmem:s2] =	stream.indirect.scatter.add.f32 [tilespmem:s15], [sflag:$0x2], $0x80, s31, s14, $0xb8;
	[tilespmem:$0x1DC00] =	vst v63  }
0x21: {  	_ =	swait.ge [sflag:s12], $0x3200  }
0x22: {  	s19 =	simm.s32 $0x400;
	s18 =	simm.s32 $0x200;
	[sflag:s12] =	ssyncset.done $0x0  }
.LBB2_2:
0x23: {  	s20 =	sshra.s32 s18, $0x2  }
0x24: {  	[sflag:s12] =	ssyncadd.s32 $0xFFFFCE00;
	s18 =	smov.u32 s19;
	s21 =	sadd.s32 $0x200, s19  }
0x25: {  	[tilespmem:s15], [sflag:$0x1] =	stream.indirect.gather [hbm4b:s4+s14], $0x80, s20, s14, $0xb8;
	[tilespmem:$0x1DC00] =	vst v63  }
0x26: {  	p0 =	sne.s32 s19, $0xC600;
	_ =	swait.ge [sflag:s16], $0x3200  }
.Ltmp0:
0x27: {  	[sflag:s16] =	ssyncset.done $0x0;
	(pc) =	sbr.rel @p0 .LBB2_2-.Ltmp0, $4  }
0x28: {  	s19 =	sadd.s32 $0x3400, s20;
	[sflag:s16] =	ssyncadd.s32 $0xFFFFCE00  }
0x29: {  	[spmem:s2] =	stream.indirect.scatter.add.f32 [tilespmem:s15], [sflag:$0x2], $0x80, s19, s14, $0xb8;
	[tilespmem:$0x1DC00] =	vst v63  }
0x2a: {  	_ =	swait.ge [sflag:s12], $0x3200  }
0x2b: {  	s19 =	smov.u32 s21;
	[sflag:s12] =	ssyncset.done $0x0  }
0x2c: {  	s18 =	sshra.s32 s18, $0x2;
	[sflag:s12] =	ssyncadd.s32 $0xFFFFCE00  }
0x2d: {  	[tilespmem:s15], [sflag:$0x1] =	stream.indirect.gather [hbm4b:s4+s14], $0x80, s18, s14, $0xb8;
	[tilespmem:$0x1DC00] =	vst v63  }
0x2e: {  	_ =	swait.ge [sflag:s16], $0x3200  }
0x2f: {  	[sflag:s16] =	ssyncset.done $0x0  }
0x30: {  	s18 =	sadd.s32 $0x3400, s18;
	[sflag:s16] =	ssyncadd.s32 $0xFFFFCE00  }
0x31: {  	[spmem:s2] =	stream.indirect.scatter.add.f32 [tilespmem:s15], [sflag:$0x2], $0x80, s18, s14, $0xb8;
	[tilespmem:$0x1DC00] =	vst v63  }
0x32: {  	_ =	swait.ge [sflag:s12], $0x3200  }
0x33: {  	s17 =	sadd.s32 $0x1, s17;
	[sflag:s12] =	ssyncset.done $0x0  }
0x34: {  	p0 =	sne.s32 s17, s10;
	[sflag:s12] =	ssyncadd.s32 $0xFFFFCE00  }
.Ltmp1:
0x35: {  	[bflag:$0x0] =	sbarrier.arrive $0xFFFF;
	(pc) =	sbr.rel @p0 .LBB2_1-.Ltmp1, $4  }
0x36: {  	[hbm:s9], [sflag:s6] =	dma.local [spmem:s11], $0x2800  }
0x37: {  	_ =	swait.ge [sflag:s12], $0x2800  }
0x38: {  	[sflag:s12] =	ssyncset.done $0x0  }
0x39: {  	[sflag:s12] =	ssyncadd.s32 $0xFFFFD800  }
0x3a: {  	_ =	sfence.sel $0x180000  }
0x3b: {  	[bflag:$0x0] =	sbarrier.arrive $0xFFFF  }
0x3c: {  	p0 =	sne.s32 s0, $0x0;
	_ =	strace $0x90000047  }
0x3d: {  	s0 =	sadd.s32 @!p0 $0x100000, s1;
	[bflag:$0x2] =	sbarrier.arrive $0xFFFF  }
0x3e: {  	[sflag:s0] =	ssyncadd.tile.s32 @!p0 $0x1;
	_ =	shalt  }
.Lfunc_end2:
_tile_overlayer_lowered:
.L_overlay_start_2:
0x3f: {  	(tag) =	ssettag $0x2  }
0x40: {  	s0 =	rddreg [dreg:$0x0];
	s2 =	stileid.u32  }
0x41: {  	s1 =	rddreg [dreg:$0x1];
	p0 =	sne.s32 s2, $0x0  }
0x42: {  	s3 =	rddreg [dreg:$0x2];
	[bflag:$0x3] =	sbarrier.arrive $0xFFFF;
	s2 =	simm.s32 @!p0 $0x1C02  }
0x43: {  	[timem:s3], [sflag:s2] =	dma.local @!p0 [hbm:s0], s1  }
0x44: {  	s0 =	simm.s32 @!p0 $0x2  }
0x45: {  	_ =	swait.ge @!p0 [sflag:s0], s1  }
0x46: {  	s1 =	ssub.s32 @!p0 $0x0, s1;
	[sflag:s0] =	ssyncset.done @!p0 $0x0  }
0x47: {  	[sflag:s0] =	ssyncadd.s32 @!p0 s1  }
0x48: {  	[bflag:$0x3] =	sbarrier.arrive $0xFFFF  }
0x49: {  	_ =	shalt  }

</sc_bundles>
